<compile_context>
chip_gen: v7x
topology: tpu7x:2x2x1
jax: 0.10.2.dev20260603
libtpu: 0.0.44.dev20260713+nightly
codegen_flags: <defaults>
</compile_context>

<pallas_src>
import functools

import jax
import jax.numpy as jnp
from jax import lax
from jax.experimental import pallas as pl
from jax.experimental.pallas import tpu as pltpu
from jax.experimental.pallas import tpu_sc as plsc

N_NODES = 10000
D_FEAT = 128
ROWS = 10112
N_EDGES = 320000
NC, NS = 2, 16
K = 80
CH = N_EDGES // K
NCH0 = 126
NCH1 = 124
STRIPE = ROWS // NS

IN_DIM = 2 * D_FEAT
H2 = 192
EMB = 128


@functools.cache
def _make_sc_agg():
    mesh = plsc.VectorSubcoreMesh(
        core_axis_name="c", subcore_axis_name="s",
        num_cores=NC, num_subcores=NS)

    @functools.partial(
        pl.kernel,
        out_type=jax.ShapeDtypeStruct((NC, ROWS, D_FEAT), jnp.float32),
        mesh=mesh,
        scratch_types=[
            pltpu.VMEM((NCH0, K), jnp.int32),
            pltpu.VMEM((NCH0, K), jnp.int32),
            pltpu.VMEM((K, D_FEAT), jnp.float32),
            pltpu.VMEM((K, D_FEAT), jnp.float32),
            pltpu.VMEM_SHARED((ROWS, D_FEAT), jnp.float32),
            pltpu.SemaphoreType.DMA,
            pltpu.SemaphoreType.DMA,
        ],
        compiler_params=pltpu.CompilerParams(use_tc_tiling_on_sc=False,
                                             needs_layout_passes=False),
    )
    def sc_agg(x_hbm, epk_hbm, parts_out,
               sidx, didx, buf0, buf1, acc, sem0, sem1):
        c = lax.axis_index("c")
        s = lax.axis_index("s")
        zeros = jnp.zeros((16,), jnp.float32)
        ones = jnp.ones((16,), jnp.float32)
        zeros_i = jnp.zeros((16,), jnp.int32)
        iota16 = lax.broadcasted_iota(jnp.int32, (16,), 0)

        def set_count_col(buf):
            for g in range(K // 16):
                plsc.store_scatter(buf, [iota16 + (g * 16), zeros_i], ones)

        def _zrow(i, _):
            for g in range(D_FEAT // 16):
                buf0[i, pl.ds(g * 16, 16)] = zeros
            return _
        lax.fori_loop(0, K, _zrow, None)

        for kk in range(STRIPE // K):
            pltpu.sync_copy(buf0, acc.at[pl.ds(s * STRIPE + kk * K, K)])
        rem = STRIPE % K
        if rem:
            pltpu.sync_copy(buf0.at[pl.ds(0, rem)],
                            acc.at[pl.ds(s * STRIPE + (STRIPE // K) * K, rem)])

        def run_range(row0, nch):
            pltpu.sync_copy(epk_hbm.at[0, pl.ds(row0, nch)],
                            sidx.at[pl.ds(0, nch)])
            pltpu.sync_copy(epk_hbm.at[1, pl.ds(row0, nch)],
                            didx.at[pl.ds(0, nch)])
            pltpu.async_copy(x_hbm.at[sidx.at[0]], buf0, sem0)
            plsc.subcore_barrier()

            def body(i, _):
                j = 2 * i
                pltpu.async_copy(x_hbm.at[sidx.at[j + 1]], buf1, sem1)
                pltpu.make_async_copy(x_hbm.at[sidx.at[j]], buf0,
                                      sem0).wait()
                set_count_col(buf0)
                pltpu.sync_copy(buf0, acc.at[didx.at[j]], add=True)

                @pl.when(j + 2 < nch)
                def _():
                    pltpu.async_copy(x_hbm.at[sidx.at[j + 2]], buf0, sem0)

                pltpu.make_async_copy(x_hbm.at[sidx.at[j + 1]], buf1,
                                      sem1).wait()
                set_count_col(buf1)
                pltpu.sync_copy(buf1, acc.at[didx.at[j + 1]], add=True)
                return _

            lax.fori_loop(0, nch // 2, body, None)

        @pl.when(c == 0)
        def _():
            run_range(s * NCH0, NCH0)

        @pl.when(c == 1)
        def _():
            run_range(NS * NCH0 + s * NCH1, NCH1)

        plsc.subcore_barrier()
        pltpu.sync_copy(acc.at[pl.ds(s * STRIPE, STRIPE)],
                        parts_out.at[c, pl.ds(s * STRIPE, STRIPE)])

    return sc_agg


def _tc_dense_body(x_ref, parts_ref, w1_ref, b1_ref, w2_ref, b2_ref,
                   w3_ref, b3_ref, w4_ref, b4_ref, enc_ref, dec_ref):
    xs = x_ref[...]
    p = parts_ref[0] + parts_ref[1]
    cnt = p[:, 0:1]
    agg = p / jnp.maximum(cnt, 1.0)
    col = lax.broadcasted_iota(jnp.int32, xs.shape, 1)
    xz = jnp.where(col == 0, 0.0, xs)
    aggz = jnp.where(col == 0, 0.0, agg)
    w1 = w1_ref[...]
    h = jnp.maximum(
        jnp.dot(xz, w1[:D_FEAT], preferred_element_type=jnp.float32)
        + jnp.dot(aggz, w1[D_FEAT:], preferred_element_type=jnp.float32)
        + b1_ref[...], 0.0)
    enc = jnp.dot(h, w2_ref[...], preferred_element_type=jnp.float32) + b2_ref[...]
    enc_ref[...] = enc
    h2 = jnp.maximum(
        jnp.dot(enc, w3_ref[...], preferred_element_type=jnp.float32)
        + b3_ref[...], 0.0)
    dec_ref[...] = (jnp.dot(h2, w4_ref[...], preferred_element_type=jnp.float32)
                    + b4_ref[...])


_TC_R = 2528


def _tc_dense(xp, parts, W_enc1, b_enc1, W_enc3, b_enc3,
              W_dec1, b_dec1, W_dec3, b_dec3):
    grid = (-(-N_NODES // _TC_R),)
    fixed = lambda i: (0, 0)
    enc, dec = pl.pallas_call(
        _tc_dense_body,
        grid=grid,
        in_specs=[
            pl.BlockSpec((_TC_R, D_FEAT), lambda i: (i, 0)),
            pl.BlockSpec((NC, _TC_R, D_FEAT), lambda i: (0, i, 0)),
            pl.BlockSpec((IN_DIM, H2), fixed),
            pl.BlockSpec((1, H2), fixed),
            pl.BlockSpec((H2, EMB), fixed),
            pl.BlockSpec((1, EMB), fixed),
            pl.BlockSpec((EMB, H2), fixed),
            pl.BlockSpec((1, H2), fixed),
            pl.BlockSpec((H2, IN_DIM), fixed),
            pl.BlockSpec((1, IN_DIM), fixed),
        ],
        out_specs=[
            pl.BlockSpec((_TC_R, EMB), lambda i: (i, 0)),
            pl.BlockSpec((_TC_R, IN_DIM), lambda i: (i, 0)),
        ],
        out_shape=[
            jax.ShapeDtypeStruct((N_NODES, EMB), jnp.float32),
            jax.ShapeDtypeStruct((N_NODES, IN_DIM), jnp.float32),
        ],
    )(xp, parts, W_enc1, b_enc1.reshape(1, H2), W_enc3,
      b_enc3.reshape(1, EMB), W_dec1, b_dec1.reshape(1, H2), W_dec3,
      b_dec3.reshape(1, IN_DIM))
    return enc, dec


def kernel(x, edge_index, W_enc1, b_enc1, W_enc3, b_enc3,
           W_dec1, b_dec1, W_dec3, b_dec3):
    epk = edge_index.reshape(2, CH, K)

    parts = _make_sc_agg()(x, epk)

    enc, dec = _tc_dense(x, parts, W_enc1, b_enc1, W_enc3, b_enc3,
                         W_dec1, b_dec1, W_dec3, b_dec3)
    return enc, dec

# --- scband reference (transcript-rebuilt; emitter-appended) ---
"""Pipeline reference for scband-graph-sageautoencoder-77421080477948 (READ-ONLY COPY).

The authoritative reference and input builder live on the scoring server;
editing this copy changes nothing except your own understanding.
"""

import jax, jax.numpy as jnp
import numpy as np

N_NODES = 10000
D_FEAT = 128
N_EDGES = 320000
IN_DIM = 2 * D_FEAT
H2 = 192
EMB = 128


def setup_inputs(seed: int = 0) -> dict:
    key = jax.random.key(seed)
    ks = jax.random.split(key, 12)
    x = jax.random.normal(ks[0], (N_NODES, D_FEAT), dtype=jnp.float32)
    edge_index = jax.random.randint(ks[1], (2, N_EDGES), 0, N_NODES, dtype=jnp.int32)
    s = 0.02
    W_enc1 = jax.random.normal(ks[2], (IN_DIM, H2), dtype=jnp.float32) * s
    b_enc1 = jnp.zeros((H2,), dtype=jnp.float32)
    W_enc3 = jax.random.normal(ks[3], (H2, EMB), dtype=jnp.float32) * s
    b_enc3 = jnp.zeros((EMB,), dtype=jnp.float32)
    W_dec1 = jax.random.normal(ks[4], (EMB, H2), dtype=jnp.float32) * s
    b_dec1 = jnp.zeros((H2,), dtype=jnp.float32)
    W_dec3 = jax.random.normal(ks[5], (H2, IN_DIM), dtype=jnp.float32) * s
    b_dec3 = jnp.zeros((IN_DIM,), dtype=jnp.float32)
    return {"x": x, "edge_index": edge_index,
            "W_enc1": W_enc1, "b_enc1": b_enc1, "W_enc3": W_enc3, "b_enc3": b_enc3,
            "W_dec1": W_dec1, "b_dec1": b_dec1, "W_dec3": W_dec3, "b_dec3": b_dec3}


def reference(x, edge_index, W_enc1, b_enc1, W_enc3, b_enc3, W_dec1, b_dec1, W_dec3, b_dec3):
    # GraphSAGE mean aggregation of 1-hop neighbor features (vectorized form of
    # aggregate_neighbors): gather neighbor feats per edge, segment-mean by dst node.
    src = edge_index[0]
    dst = edge_index[1]
    msgs = jnp.take(x, src, axis=0)
    agg = jax.ops.segment_sum(msgs, dst, num_segments=x.shape[0])
    counts = jax.ops.segment_sum(jnp.ones((edge_index.shape[1],), dtype=jnp.float32), dst, num_segments=x.shape[0])
    agg = agg / jnp.maximum(counts, 1.0)[:, None]
    # aggregated_feat[0] = 0
    agg = agg.at[:, 0].set(0.0)
    # concatenated embedding = [node_feat, aggregated_feat]; zero positions 0 and NODELEN
    emb = jnp.concatenate([x, agg], axis=1)
    emb = emb.at[:, 0].set(0.0)
    emb = emb.at[:, x.shape[1]].set(0.0)
    # AutoEncoder.forward (dropout in eval mode = identity)
    h = jax.nn.relu(emb @ W_enc1 + b_enc1)
    encoded = h @ W_enc3 + b_enc3
    h2 = jax.nn.relu(encoded @ W_dec1 + b_dec1)
    decoded = h2 @ W_dec3 + b_dec3
    return (encoded, decoded)

if __name__ == "__main__":
    import jax
    _d = setup_inputs()
    print(jax.jit(kernel)(*tuple(_d.values())))

</pallas_src>

<mosaic_0001>
#map = affine_map<(d0, d1) -> (0, 0)>
#map1 = affine_map<(d0, d1) -> (0, 0, 0)>
module attributes {stable_mosaic.version = 14 : i64} {
  func.func @sc_agg(%arg0: i32, %arg1: i32, %arg2: memref<10000x128xf32, #tpu.memory_space<hbm>>, %arg3: memref<2x4000x80xi32, #tpu.memory_space<hbm>>, %arg4: memref<2x10112x128xf32, #tpu.memory_space<hbm>>, %arg5: memref<126x80xi32, #tpu.memory_space<vmem>>, %arg6: memref<126x80xi32, #tpu.memory_space<vmem>>, %arg7: memref<80x128xf32, #tpu.memory_space<vmem>>, %arg8: memref<80x128xf32, #tpu.memory_space<vmem>>, %arg9: memref<10112x128xf32, #tpu.memory_space<vmem_shared>>, %arg10: memref<!tpu.dma_semaphore, #tpu.memory_space<semaphore_mem>>, %arg11: memref<!tpu.dma_semaphore, #tpu.memory_space<semaphore_mem>>) attributes {dimension_semantics = [#tpu.dimension_semantics<core_parallel>, #tpu.dimension_semantics<subcore_parallel>], iteration_bounds = array<i64: 2, 16>, scalar_prefetch = 0 : i64, scratch_operands = 7 : i64, tpu.core_type = #tpu.core_type<sc_vector_subcore>, window_params = [{transform_indices = #map}, {transform_indices = #map1}, {transform_indices = #map1}]} {
    %broadcast_in_dim3A = arith.constant 0.000000e+00 : f32
    %broadcast_in_dim3A_0 = vector.broadcast %broadcast_in_dim3A : f32 to vector<16xf32>
    %broadcast_in_dim3A_1 = arith.constant 1.000000e+00 : f32
    %broadcast_in_dim3A_2 = vector.broadcast %broadcast_in_dim3A_1 : f32 to vector<16xf32>
    %broadcast_in_dim3A_3 = arith.constant 0 : i32
    %broadcast_in_dim3A_4 = vector.broadcast %broadcast_in_dim3A_3 : i32 to vector<16xi32>
    %iota3A = tpu.iota {dimensions = array<i32: 0>} : vector<16xi32>
    %scan3A = arith.constant 0 : i32
    %scan3A_5 = arith.constant 80 : i32
    %scan3A_6 = arith.addi %scan3A, %scan3A_5 : i32
    %scan3A_7 = arith.constant 1 : i32
    scf.for %scan3A_50 = %scan3A to %scan3A_6 step %scan3A_7  : i32 {
      %swap3A = arith.index_cast %scan3A_50 : i32 to index
      %swap3A_51 = arith.constant 0 : index
      %swap3A_52 = tpu.vector_load %arg7[%swap3A, %swap3A_51] {strides = array<i32>} : memref<80x128xf32, #tpu.memory_space<vmem>>, vector<16xf32>,
      tpu.vector_store %arg7[%swap3A, %swap3A_51], %broadcast_in_dim3A_0 {strides = array<i32>} : memref<80x128xf32, #tpu.memory_space<vmem>>, vector<16xf32>,
      %swap3A_53 = arith.index_cast %scan3A_50 : i32 to index
      %swap3A_54 = arith.constant 16 : index
      %swap3A_55 = tpu.vector_load %arg7[%swap3A_53, %swap3A_54] {strides = array<i32>} : memref<80x128xf32, #tpu.memory_space<vmem>>, vector<16xf32>,
      tpu.vector_store %arg7[%swap3A_53, %swap3A_54], %broadcast_in_dim3A_0 {strides = array<i32>} : memref<80x128xf32, #tpu.memory_space<vmem>>, vector<16xf32>,
      %swap3A_56 = arith.index_cast %scan3A_50 : i32 to index
      %swap3A_57 = arith.constant 32 : index
      %swap3A_58 = tpu.vector_load %arg7[%swap3A_56, %swap3A_57] {strides = array<i32>} : memref<80x128xf32, #tpu.memory_space<vmem>>, vector<16xf32>,
      tpu.vector_store %arg7[%swap3A_56, %swap3A_57], %broadcast_in_dim3A_0 {strides = array<i32>} : memref<80x128xf32, #tpu.memory_space<vmem>>, vector<16xf32>,
      %swap3A_59 = arith.index_cast %scan3A_50 : i32 to index
      %swap3A_60 = arith.constant 48 : index
      %swap3A_61 = tpu.vector_load %arg7[%swap3A_59, %swap3A_60] {strides = array<i32>} : memref<80x128xf32, #tpu.memory_space<vmem>>, vector<16xf32>,
      tpu.vector_store %arg7[%swap3A_59, %swap3A_60], %broadcast_in_dim3A_0 {strides = array<i32>} : memref<80x128xf32, #tpu.memory_space<vmem>>, vector<16xf32>,
      %swap3A_62 = arith.index_cast %scan3A_50 : i32 to index
      %swap3A_63 = arith.constant 64 : index
      %swap3A_64 = tpu.vector_load %arg7[%swap3A_62, %swap3A_63] {strides = array<i32>} : memref<80x128xf32, #tpu.memory_space<vmem>>, vector<16xf32>,
      tpu.vector_store %arg7[%swap3A_62, %swap3A_63], %broadcast_in_dim3A_0 {strides = array<i32>} : memref<80x128xf32, #tpu.memory_space<vmem>>, vector<16xf32>,
      %swap3A_65 = arith.index_cast %scan3A_50 : i32 to index
      %swap3A_66 = arith.constant 80 : index
      %swap3A_67 = tpu.vector_load %arg7[%swap3A_65, %swap3A_66] {strides = array<i32>} : memref<80x128xf32, #tpu.memory_space<vmem>>, vector<16xf32>,
      tpu.vector_store %arg7[%swap3A_65, %swap3A_66], %broadcast_in_dim3A_0 {strides = array<i32>} : memref<80x128xf32, #tpu.memory_space<vmem>>, vector<16xf32>,
      %swap3A_68 = arith.index_cast %scan3A_50 : i32 to index
      %swap3A_69 = arith.constant 96 : index
      %swap3A_70 = tpu.vector_load %arg7[%swap3A_68, %swap3A_69] {strides = array<i32>} : memref<80x128xf32, #tpu.memory_space<vmem>>, vector<16xf32>,
      tpu.vector_store %arg7[%swap3A_68, %swap3A_69], %broadcast_in_dim3A_0 {strides = array<i32>} : memref<80x128xf32, #tpu.memory_space<vmem>>, vector<16xf32>,
      %swap3A_71 = arith.index_cast %scan3A_50 : i32 to index
      %swap3A_72 = arith.constant 112 : index
      %swap3A_73 = tpu.vector_load %arg7[%swap3A_71, %swap3A_72] {strides = array<i32>} : memref<80x128xf32, #tpu.memory_space<vmem>>, vector<16xf32>,
      tpu.vector_store %arg7[%swap3A_71, %swap3A_72], %broadcast_in_dim3A_0 {strides = array<i32>} : memref<80x128xf32, #tpu.memory_space<vmem>>, vector<16xf32>,
    }
    %scan3A_8 = arith.constant 80 : i32
    %mul3A = arith.constant 632 : i32
    %mul3A_9 = arith.muli %arg1, %mul3A : i32
    %add3A = arith.constant 0 : i32
    %add3A_10 = arith.addi %mul3A_9, %add3A : i32
    "tpu.region"() ({
      %run_scoped3A = tpu.sem_alloc : memref<!tpu.dma_semaphore, #tpu.memory_space<semaphore_mem>>
      %dma_start3A = arith.constant 0 : i32
      %dma_start3A_50 = tpu.memref_slice %arg9[%add3A_10, %dma_start3A] : memref<10112x128xf32, #tpu.memory_space<vmem_shared>> -> memref<80x128xf32, #tpu.memory_space<vmem_shared>>
      %dma_start3A_51 = arith.constant 0 : i32
      %dma_start3A_52 = tpu.memref_slice %arg9[%add3A_10, %dma_start3A_51] : memref<10112x128xf32, #tpu.memory_space<vmem_shared>> -> memref<80x128xf32, #tpu.memory_space<vmem_shared>>
      tpu.enqueue_dma source(%arg7 : memref<80x128xf32, #tpu.memory_space<vmem>>) target(%dma_start3A_52 : memref<80x128xf32, #tpu.memory_space<vmem_shared>>) target_semaphore(%run_scoped3A : memref<!tpu.dma_semaphore, #tpu.memory_space<semaphore_mem>>)
      %dma_wait3A = arith.constant 0 : i32
      %dma_wait3A_53 = tpu.memref_slice %arg9[%add3A_10, %dma_wait3A] : memref<10112x128xf32, #tpu.memory_space<vmem_shared>> -> memref<80x128xf32, #tpu.memory_space<vmem_shared>>
      %dma_wait3A_54 = arith.constant 0 : i32
      %dma_wait3A_55 = tpu.memref_slice %arg9[%add3A_10, %dma_wait3A_54] : memref<10112x128xf32, #tpu.memory_space<vmem_shared>> -> memref<80x128xf32, #tpu.memory_space<vmem_shared>>
      tpu.wait_dma2 semaphore(%run_scoped3A : memref<!tpu.dma_semaphore, #tpu.memory_space<semaphore_mem>>) src(%arg7 : memref<80x128xf32, #tpu.memory_space<vmem>>) dst(%dma_wait3A_55 : memref<80x128xf32, #tpu.memory_space<vmem_shared>>)
      tpu.yield
    }) : () -> ()
    %mul3A_11 = arith.constant 632 : i32
    %mul3A_12 = arith.muli %arg1, %mul3A_11 : i32
    %add3A_13 = arith.constant 80 : i32
    %add3A_14 = arith.addi %mul3A_12, %add3A_13 : i32
    "tpu.region"() ({
      %run_scoped3A = tpu.sem_alloc : memref<!tpu.dma_semaphore, #tpu.memory_space<semaphore_mem>>
      %dma_start3A = arith.constant 0 : i32
      %dma_start3A_50 = tpu.memref_slice %arg9[%add3A_14, %dma_start3A] : memref<10112x128xf32, #tpu.memory_space<vmem_shared>> -> memref<80x128xf32, #tpu.memory_space<vmem_shared>>
      %dma_start3A_51 = arith.constant 0 : i32
      %dma_start3A_52 = tpu.memref_slice %arg9[%add3A_14, %dma_start3A_51] : memref<10112x128xf32, #tpu.memory_space<vmem_shared>> -> memref<80x128xf32, #tpu.memory_space<vmem_shared>>
      tpu.enqueue_dma source(%arg7 : memref<80x128xf32, #tpu.memory_space<vmem>>) target(%dma_start3A_52 : memref<80x128xf32, #tpu.memory_space<vmem_shared>>) target_semaphore(%run_scoped3A : memref<!tpu.dma_semaphore, #tpu.memory_space<semaphore_mem>>)
      %dma_wait3A = arith.constant 0 : i32
      %dma_wait3A_53 = tpu.memref_slice %arg9[%add3A_14, %dma_wait3A] : memref<10112x128xf32, #tpu.memory_space<vmem_shared>> -> memref<80x128xf32, #tpu.memory_space<vmem_shared>>
      %dma_wait3A_54 = arith.constant 0 : i32
      %dma_wait3A_55 = tpu.memref_slice %arg9[%add3A_14, %dma_wait3A_54] : memref<10112x128xf32, #tpu.memory_space<vmem_shared>> -> memref<80x128xf32, #tpu.memory_space<vmem_shared>>
      tpu.wait_dma2 semaphore(%run_scoped3A : memref<!tpu.dma_semaphore, #tpu.memory_space<semaphore_mem>>) src(%arg7 : memref<80x128xf32, #tpu.memory_space<vmem>>) dst(%dma_wait3A_55 : memref<80x128xf32, #tpu.memory_space<vmem_shared>>)
      tpu.yield
    }) : () -> ()
    %mul3A_15 = arith.constant 632 : i32
    %mul3A_16 = arith.muli %arg1, %mul3A_15 : i32
    %add3A_17 = arith.constant 160 : i32
    %add3A_18 = arith.addi %mul3A_16, %add3A_17 : i32
    "tpu.region"() ({
      %run_scoped3A = tpu.sem_alloc : memref<!tpu.dma_semaphore, #tpu.memory_space<semaphore_mem>>
      %dma_start3A = arith.constant 0 : i32
      %dma_start3A_50 = tpu.memref_slice %arg9[%add3A_18, %dma_start3A] : memref<10112x128xf32, #tpu.memory_space<vmem_shared>> -> memref<80x128xf32, #tpu.memory_space<vmem_shared>>
      %dma_start3A_51 = arith.constant 0 : i32
      %dma_start3A_52 = tpu.memref_slice %arg9[%add3A_18, %dma_start3A_51] : memref<10112x128xf32, #tpu.memory_space<vmem_shared>> -> memref<80x128xf32, #tpu.memory_space<vmem_shared>>
      tpu.enqueue_dma source(%arg7 : memref<80x128xf32, #tpu.memory_space<vmem>>) target(%dma_start3A_52 : memref<80x128xf32, #tpu.memory_space<vmem_shared>>) target_semaphore(%run_scoped3A : memref<!tpu.dma_semaphore, #tpu.memory_space<semaphore_mem>>)
      %dma_wait3A = arith.constant 0 : i32
      %dma_wait3A_53 = tpu.memref_slice %arg9[%add3A_18, %dma_wait3A] : memref<10112x128xf32, #tpu.memory_space<vmem_shared>> -> memref<80x128xf32, #tpu.memory_space<vmem_shared>>
      %dma_wait3A_54 = arith.constant 0 : i32
      %dma_wait3A_55 = tpu.memref_slice %arg9[%add3A_18, %dma_wait3A_54] : memref<10112x128xf32, #tpu.memory_space<vmem_shared>> -> memref<80x128xf32, #tpu.memory_space<vmem_shared>>
      tpu.wait_dma2 semaphore(%run_scoped3A : memref<!tpu.dma_semaphore, #tpu.memory_space<semaphore_mem>>) src(%arg7 : memref<80x128xf32, #tpu.memory_space<vmem>>) dst(%dma_wait3A_55 : memref<80x128xf32, #tpu.memory_space<vmem_shared>>)
      tpu.yield
    }) : () -> ()
    %mul3A_19 = arith.constant 632 : i32
    %mul3A_20 = arith.muli %arg1, %mul3A_19 : i32
    %add3A_21 = arith.constant 240 : i32
    %add3A_22 = arith.addi %mul3A_20, %add3A_21 : i32
    "tpu.region"() ({
      %run_scoped3A = tpu.sem_alloc : memref<!tpu.dma_semaphore, #tpu.memory_space<semaphore_mem>>
      %dma_start3A = arith.constant 0 : i32
      %dma_start3A_50 = tpu.memref_slice %arg9[%add3A_22, %dma_start3A] : memref<10112x128xf32, #tpu.memory_space<vmem_shared>> -> memref<80x128xf32, #tpu.memory_space<vmem_shared>>
      %dma_start3A_51 = arith.constant 0 : i32
      %dma_start3A_52 = tpu.memref_slice %arg9[%add3A_22, %dma_start3A_51] : memref<10112x128xf32, #tpu.memory_space<vmem_shared>> -> memref<80x128xf32, #tpu.memory_space<vmem_shared>>
      tpu.enqueue_dma source(%arg7 : memref<80x128xf32, #tpu.memory_space<vmem>>) target(%dma_start3A_52 : memref<80x128xf32, #tpu.memory_space<vmem_shared>>) target_semaphore(%run_scoped3A : memref<!tpu.dma_semaphore, #tpu.memory_space<semaphore_mem>>)
      %dma_wait3A = arith.constant 0 : i32
      %dma_wait3A_53 = tpu.memref_slice %arg9[%add3A_22, %dma_wait3A] : memref<10112x128xf32, #tpu.memory_space<vmem_shared>> -> memref<80x128xf32, #tpu.memory_space<vmem_shared>>
      %dma_wait3A_54 = arith.constant 0 : i32
      %dma_wait3A_55 = tpu.memref_slice %arg9[%add3A_22, %dma_wait3A_54] : memref<10112x128xf32, #tpu.memory_space<vmem_shared>> -> memref<80x128xf32, #tpu.memory_space<vmem_shared>>
      tpu.wait_dma2 semaphore(%run_scoped3A : memref<!tpu.dma_semaphore, #tpu.memory_space<semaphore_mem>>) src(%arg7 : memref<80x128xf32, #tpu.memory_space<vmem>>) dst(%dma_wait3A_55 : memref<80x128xf32, #tpu.memory_space<vmem_shared>>)
      tpu.yield
    }) : () -> ()
    %mul3A_23 = arith.constant 632 : i32
    %mul3A_24 = arith.muli %arg1, %mul3A_23 : i32
    %add3A_25 = arith.constant 320 : i32
    %add3A_26 = arith.addi %mul3A_24, %add3A_25 : i32
    "tpu.region"() ({
      %run_scoped3A = tpu.sem_alloc : memref<!tpu.dma_semaphore, #tpu.memory_space<semaphore_mem>>
      %dma_start3A = arith.constant 0 : i32
      %dma_start3A_50 = tpu.memref_slice %arg9[%add3A_26, %dma_start3A] : memref<10112x128xf32, #tpu.memory_space<vmem_shared>> -> memref<80x128xf32, #tpu.memory_space<vmem_shared>>
      %dma_start3A_51 = arith.constant 0 : i32
      %dma_start3A_52 = tpu.memref_slice %arg9[%add3A_26, %dma_start3A_51] : memref<10112x128xf32, #tpu.memory_space<vmem_shared>> -> memref<80x128xf32, #tpu.memory_space<vmem_shared>>
      tpu.enqueue_dma source(%arg7 : memref<80x128xf32, #tpu.memory_space<vmem>>) target(%dma_start3A_52 : memref<80x128xf32, #tpu.memory_space<vmem_shared>>) target_semaphore(%run_scoped3A : memref<!tpu.dma_semaphore, #tpu.memory_space<semaphore_mem>>)
      %dma_wait3A = arith.constant 0 : i32
      %dma_wait3A_53 = tpu.memref_slice %arg9[%add3A_26, %dma_wait3A] : memref<10112x128xf32, #tpu.memory_space<vmem_shared>> -> memref<80x128xf32, #tpu.memory_space<vmem_shared>>
      %dma_wait3A_54 = arith.constant 0 : i32
      %dma_wait3A_55 = tpu.memref_slice %arg9[%add3A_26, %dma_wait3A_54] : memref<10112x128xf32, #tpu.memory_space<vmem_shared>> -> memref<80x128xf32, #tpu.memory_space<vmem_shared>>
      tpu.wait_dma2 semaphore(%run_scoped3A : memref<!tpu.dma_semaphore, #tpu.memory_space<semaphore_mem>>) src(%arg7 : memref<80x128xf32, #tpu.memory_space<vmem>>) dst(%dma_wait3A_55 : memref<80x128xf32, #tpu.memory_space<vmem_shared>>)
      tpu.yield
    }) : () -> ()
    %mul3A_27 = arith.constant 632 : i32
    %mul3A_28 = arith.muli %arg1, %mul3A_27 : i32
    %add3A_29 = arith.constant 400 : i32
    %add3A_30 = arith.addi %mul3A_28, %add3A_29 : i32
    "tpu.region"() ({
      %run_scoped3A = tpu.sem_alloc : memref<!tpu.dma_semaphore, #tpu.memory_space<semaphore_mem>>
      %dma_start3A = arith.constant 0 : i32
      %dma_start3A_50 = tpu.memref_slice %arg9[%add3A_30, %dma_start3A] : memref<10112x128xf32, #tpu.memory_space<vmem_shared>> -> memref<80x128xf32, #tpu.memory_space<vmem_shared>>
      %dma_start3A_51 = arith.constant 0 : i32
      %dma_start3A_52 = tpu.memref_slice %arg9[%add3A_30, %dma_start3A_51] : memref<10112x128xf32, #tpu.memory_space<vmem_shared>> -> memref<80x128xf32, #tpu.memory_space<vmem_shared>>
      tpu.enqueue_dma source(%arg7 : memref<80x128xf32, #tpu.memory_space<vmem>>) target(%dma_start3A_52 : memref<80x128xf32, #tpu.memory_space<vmem_shared>>) target_semaphore(%run_scoped3A : memref<!tpu.dma_semaphore, #tpu.memory_space<semaphore_mem>>)
      %dma_wait3A = arith.constant 0 : i32
      %dma_wait3A_53 = tpu.memref_slice %arg9[%add3A_30, %dma_wait3A] : memref<10112x128xf32, #tpu.memory_space<vmem_shared>> -> memref<80x128xf32, #tpu.memory_space<vmem_shared>>
      %dma_wait3A_54 = arith.constant 0 : i32
      %dma_wait3A_55 = tpu.memref_slice %arg9[%add3A_30, %dma_wait3A_54] : memref<10112x128xf32, #tpu.memory_space<vmem_shared>> -> memref<80x128xf32, #tpu.memory_space<vmem_shared>>
      tpu.wait_dma2 semaphore(%run_scoped3A : memref<!tpu.dma_semaphore, #tpu.memory_space<semaphore_mem>>) src(%arg7 : memref<80x128xf32, #tpu.memory_space<vmem>>) dst(%dma_wait3A_55 : memref<80x128xf32, #tpu.memory_space<vmem_shared>>)
      tpu.yield
    }) : () -> ()
    %mul3A_31 = arith.constant 632 : i32
    %mul3A_32 = arith.muli %arg1, %mul3A_31 : i32
    %add3A_33 = arith.constant 480 : i32
    %add3A_34 = arith.addi %mul3A_32, %add3A_33 : i32
    "tpu.region"() ({
      %run_scoped3A = tpu.sem_alloc : memref<!tpu.dma_semaphore, #tpu.memory_space<semaphore_mem>>
      %dma_start3A = arith.constant 0 : i32
      %dma_start3A_50 = tpu.memref_slice %arg9[%add3A_34, %dma_start3A] : memref<10112x128xf32, #tpu.memory_space<vmem_shared>> -> memref<80x128xf32, #tpu.memory_space<vmem_shared>>
      %dma_start3A_51 = arith.constant 0 : i32
      %dma_start3A_52 = tpu.memref_slice %arg9[%add3A_34, %dma_start3A_51] : memref<10112x128xf32, #tpu.memory_space<vmem_shared>> -> memref<80x128xf32, #tpu.memory_space<vmem_shared>>
      tpu.enqueue_dma source(%arg7 : memref<80x128xf32, #tpu.memory_space<vmem>>) target(%dma_start3A_52 : memref<80x128xf32, #tpu.memory_space<vmem_shared>>) target_semaphore(%run_scoped3A : memref<!tpu.dma_semaphore, #tpu.memory_space<semaphore_mem>>)
      %dma_wait3A = arith.constant 0 : i32
      %dma_wait3A_53 = tpu.memref_slice %arg9[%add3A_34, %dma_wait3A] : memref<10112x128xf32, #tpu.memory_space<vmem_shared>> -> memref<80x128xf32, #tpu.memory_space<vmem_shared>>
      %dma_wait3A_54 = arith.constant 0 : i32
      %dma_wait3A_55 = tpu.memref_slice %arg9[%add3A_34, %dma_wait3A_54] : memref<10112x128xf32, #tpu.memory_space<vmem_shared>> -> memref<80x128xf32, #tpu.memory_space<vmem_shared>>
      tpu.wait_dma2 semaphore(%run_scoped3A : memref<!tpu.dma_semaphore, #tpu.memory_space<semaphore_mem>>) src(%arg7 : memref<80x128xf32, #tpu.memory_space<vmem>>) dst(%dma_wait3A_55 : memref<80x128xf32, #tpu.memory_space<vmem_shared>>)
      tpu.yield
    }) : () -> ()
    %mul3A_35 = arith.constant 632 : i32
    %mul3A_36 = arith.muli %arg1, %mul3A_35 : i32
    %add3A_37 = arith.constant 560 : i32
    %add3A_38 = arith.addi %mul3A_36, %add3A_37 : i32
    "tpu.region"() ({
      %run_scoped3A = tpu.sem_alloc : memref<!tpu.dma_semaphore, #tpu.memory_space<semaphore_mem>>
      %dma_start3A = arith.constant 0 : i32
      %dma_start3A_50 = arith.constant 0 : i32
      %dma_start3A_51 = tpu.memref_slice %arg7[%dma_start3A, %dma_start3A_50] : memref<80x128xf32, #tpu.memory_space<vmem>> -> memref<72x128xf32, #tpu.memory_space<vmem>>
      %dma_start3A_52 = arith.constant 0 : i32
      %dma_start3A_53 = tpu.memref_slice %arg9[%add3A_38, %dma_start3A_52] : memref<10112x128xf32, #tpu.memory_space<vmem_shared>> -> memref<72x128xf32, #tpu.memory_space<vmem_shared>>
      %dma_start3A_54 = arith.constant 0 : i32
      %dma_start3A_55 = tpu.memref_slice %arg9[%add3A_38, %dma_start3A_54] : memref<10112x128xf32, #tpu.memory_space<vmem_shared>> -> memref<72x128xf32, #tpu.memory_space<vmem_shared>>
      %dma_start3A_56 = arith.constant 0 : i32
      %dma_start3A_57 = arith.constant 0 : i32
      %dma_start3A_58 = tpu.memref_slice %arg7[%dma_start3A_56, %dma_start3A_57] : memref<80x128xf32, #tpu.memory_space<vmem>> -> memref<72x128xf32, #tpu.memory_space<vmem>>
      tpu.enqueue_dma source(%dma_start3A_58 : memref<72x128xf32, #tpu.memory_space<vmem>>) target(%dma_start3A_55 : memref<72x128xf32, #tpu.memory_space<vmem_shared>>) target_semaphore(%run_scoped3A : memref<!tpu.dma_semaphore, #tpu.memory_space<semaphore_mem>>)
      %dma_wait3A = arith.constant 0 : i32
      %dma_wait3A_59 = arith.constant 0 : i32
      %dma_wait3A_60 = tpu.memref_slice %arg7[%dma_wait3A, %dma_wait3A_59] : memref<80x128xf32, #tpu.memory_space<vmem>> -> memref<72x128xf32, #tpu.memory_space<vmem>>
      %dma_wait3A_61 = arith.constant 0 : i32
      %dma_wait3A_62 = tpu.memref_slice %arg9[%add3A_38, %dma_wait3A_61] : memref<10112x128xf32, #tpu.memory_space<vmem_shared>> -> memref<72x128xf32, #tpu.memory_space<vmem_shared>>
      %dma_wait3A_63 = arith.constant 0 : i32
      %dma_wait3A_64 = tpu.memref_slice %arg9[%add3A_38, %dma_wait3A_63] : memref<10112x128xf32, #tpu.memory_space<vmem_shared>> -> memref<72x128xf32, #tpu.memory_space<vmem_shared>>
      %dma_wait3A_65 = arith.constant 0 : i32
      %dma_wait3A_66 = arith.constant 0 : i32
      %dma_wait3A_67 = tpu.memref_slice %arg7[%dma_wait3A_65, %dma_wait3A_66] : memref<80x128xf32, #tpu.memory_space<vmem>> -> memref<72x128xf32, #tpu.memory_space<vmem>>
      tpu.wait_dma2 semaphore(%run_scoped3A : memref<!tpu.dma_semaphore, #tpu.memory_space<semaphore_mem>>) src(%dma_wait3A_67 : memref<72x128xf32, #tpu.memory_space<vmem>>) dst(%dma_wait3A_64 : memref<72x128xf32, #tpu.memory_space<vmem_shared>>)
      tpu.yield
    }) : () -> ()
    %eq3A = arith.constant 0 : i32
    %eq3A_39 = arith.cmpi eq, %arg0, %eq3A : i32
    %convert_element_type3A = arith.extui %eq3A_39 : i1 to i32
    %cond3A = arith.constant 0 : i32
    %cond3A_40 = arith.cmpi ne, %convert_element_type3A, %cond3A : i32
    scf.if %cond3A_40 {
      %mul3A_50 = arith.constant 126 : i32
      %mul3A_51 = arith.muli %arg1, %mul3A_50 : i32
      %run_scoped3A = arith.constant 0 : i32
      "tpu.region"() ({
        %run_scoped3A_65 = tpu.sem_alloc : memref<!tpu.dma_semaphore, #tpu.memory_space<semaphore_mem>>
        %dma_start3A_66 = arith.constant 0 : i32
        %dma_start3A_67 = arith.constant 0 : i32
        %dma_start3A_68 = tpu.memref_slice %arg5[%dma_start3A_66, %dma_start3A_67] : memref<126x80xi32, #tpu.memory_space<vmem>> -> memref<126x80xi32, #tpu.memory_space<vmem>>
        %dma_start3A_69 = arith.constant 0 : i32
        %dma_start3A_70 = tpu.memref_slice %arg3[%run_scoped3A, %mul3A_51, %dma_start3A_69] : memref<2x4000x80xi32, #tpu.memory_space<hbm>> -> memref<1x126x80xi32, #tpu.memory_space<hbm>>
        %dma_start3A_71 = tpu.memref_squeeze %dma_start3A_70 : memref<1x126x80xi32, #tpu.memory_space<hbm>> -> memref<126x80xi32, #tpu.memory_space<hbm>>
        %dma_start3A_72 = arith.constant 0 : i32
        %dma_start3A_73 = arith.constant 0 : i32
        %dma_start3A_74 = tpu.memref_slice %arg5[%dma_start3A_72, %dma_start3A_73] : memref<126x80xi32, #tpu.memory_space<vmem>> -> memref<126x80xi32, #tpu.memory_space<vmem>>
        %dma_start3A_75 = arith.constant 0 : i32
        %dma_start3A_76 = tpu.memref_slice %arg3[%run_scoped3A, %mul3A_51, %dma_start3A_75] : memref<2x4000x80xi32, #tpu.memory_space<hbm>> -> memref<1x126x80xi32, #tpu.memory_space<hbm>>
        %dma_start3A_77 = tpu.memref_squeeze %dma_start3A_76 : memref<1x126x80xi32, #tpu.memory_space<hbm>> -> memref<126x80xi32, #tpu.memory_space<hbm>>
        tpu.enqueue_dma source(%dma_start3A_77 : memref<126x80xi32, #tpu.memory_space<hbm>>) target(%dma_start3A_74 : memref<126x80xi32, #tpu.memory_space<vmem>>) target_semaphore(%run_scoped3A_65 : memref<!tpu.dma_semaphore, #tpu.memory_space<semaphore_mem>>)
        %dma_wait3A = arith.constant 0 : i32
        %dma_wait3A_78 = arith.constant 0 : i32
        %dma_wait3A_79 = tpu.memref_slice %arg5[%dma_wait3A, %dma_wait3A_78] : memref<126x80xi32, #tpu.memory_space<vmem>> -> memref<126x80xi32, #tpu.memory_space<vmem>>
        %dma_wait3A_80 = arith.constant 0 : i32
        %dma_wait3A_81 = tpu.memref_slice %arg3[%run_scoped3A, %mul3A_51, %dma_wait3A_80] : memref<2x4000x80xi32, #tpu.memory_space<hbm>> -> memref<1x126x80xi32, #tpu.memory_space<hbm>>
        %dma_wait3A_82 = tpu.memref_squeeze %dma_wait3A_81 : memref<1x126x80xi32, #tpu.memory_space<hbm>> -> memref<126x80xi32, #tpu.memory_space<hbm>>
        %dma_wait3A_83 = arith.constant 0 : i32
        %dma_wait3A_84 = arith.constant 0 : i32
        %dma_wait3A_85 = tpu.memref_slice %arg5[%dma_wait3A_83, %dma_wait3A_84] : memref<126x80xi32, #tpu.memory_space<vmem>> -> memref<126x80xi32, #tpu.memory_space<vmem>>
        %dma_wait3A_86 = arith.constant 0 : i32
        %dma_wait3A_87 = tpu.memref_slice %arg3[%run_scoped3A, %mul3A_51, %dma_wait3A_86] : memref<2x4000x80xi32, #tpu.memory_space<hbm>> -> memref<1x126x80xi32, #tpu.memory_space<hbm>>
        %dma_wait3A_88 = tpu.memref_squeeze %dma_wait3A_87 : memref<1x126x80xi32, #tpu.memory_space<hbm>> -> memref<126x80xi32, #tpu.memory_space<hbm>>
        tpu.wait_dma2 semaphore(%run_scoped3A_65 : memref<!tpu.dma_semaphore, #tpu.memory_space<semaphore_mem>>) src(%dma_wait3A_88 : memref<126x80xi32, #tpu.memory_space<hbm>>) dst(%dma_wait3A_85 : memref<126x80xi32, #tpu.memory_space<vmem>>)
        tpu.yield
      }) : () -> ()
      %run_scoped3A_52 = arith.constant 1 : i32
      "tpu.region"() ({
        %run_scoped3A_65 = tpu.sem_alloc : memref<!tpu.dma_semaphore, #tpu.memory_space<semaphore_mem>>
        %dma_start3A_66 = arith.constant 0 : i32
        %dma_start3A_67 = arith.constant 0 : i32
        %dma_start3A_68 = tpu.memref_slice %arg6[%dma_start3A_66, %dma_start3A_67] : memref<126x80xi32, #tpu.memory_space<vmem>> -> memref<126x80xi32, #tpu.memory_space<vmem>>
        %dma_start3A_69 = arith.constant 0 : i32
        %dma_start3A_70 = tpu.memref_slice %arg3[%run_scoped3A_52, %mul3A_51, %dma_start3A_69] : memref<2x4000x80xi32, #tpu.memory_space<hbm>> -> memref<1x126x80xi32, #tpu.memory_space<hbm>>
        %dma_start3A_71 = tpu.memref_squeeze %dma_start3A_70 : memref<1x126x80xi32, #tpu.memory_space<hbm>> -> memref<126x80xi32, #tpu.memory_space<hbm>>
        %dma_start3A_72 = arith.constant 0 : i32
        %dma_start3A_73 = arith.constant 0 : i32
        %dma_start3A_74 = tpu.memref_slice %arg6[%dma_start3A_72, %dma_start3A_73] : memref<126x80xi32, #tpu.memory_space<vmem>> -> memref<126x80xi32, #tpu.memory_space<vmem>>
        %dma_start3A_75 = arith.constant 0 : i32
        %dma_start3A_76 = tpu.memref_slice %arg3[%run_scoped3A_52, %mul3A_51, %dma_start3A_75] : memref<2x4000x80xi32, #tpu.memory_space<hbm>> -> memref<1x126x80xi32, #tpu.memory_space<hbm>>
        %dma_start3A_77 = tpu.memref_squeeze %dma_start3A_76 : memref<1x126x80xi32, #tpu.memory_space<hbm>> -> memref<126x80xi32, #tpu.memory_space<hbm>>
        tpu.enqueue_dma source(%dma_start3A_77 : memref<126x80xi32, #tpu.memory_space<hbm>>) target(%dma_start3A_74 : memref<126x80xi32, #tpu.memory_space<vmem>>) target_semaphore(%run_scoped3A_65 : memref<!tpu.dma_semaphore, #tpu.memory_space<semaphore_mem>>)
        %dma_wait3A = arith.constant 0 : i32
        %dma_wait3A_78 = arith.constant 0 : i32
        %dma_wait3A_79 = tpu.memref_slice %arg6[%dma_wait3A, %dma_wait3A_78] : memref<126x80xi32, #tpu.memory_space<vmem>> -> memref<126x80xi32, #tpu.memory_space<vmem>>
        %dma_wait3A_80 = arith.constant 0 : i32
        %dma_wait3A_81 = tpu.memref_slice %arg3[%run_scoped3A_52, %mul3A_51, %dma_wait3A_80] : memref<2x4000x80xi32, #tpu.memory_space<hbm>> -> memref<1x126x80xi32, #tpu.memory_space<hbm>>
        %dma_wait3A_82 = tpu.memref_squeeze %dma_wait3A_81 : memref<1x126x80xi32, #tpu.memory_space<hbm>> -> memref<126x80xi32, #tpu.memory_space<hbm>>
        %dma_wait3A_83 = arith.constant 0 : i32
        %dma_wait3A_84 = arith.constant 0 : i32
        %dma_wait3A_85 = tpu.memref_slice %arg6[%dma_wait3A_83, %dma_wait3A_84] : memref<126x80xi32, #tpu.memory_space<vmem>> -> memref<126x80xi32, #tpu.memory_space<vmem>>
        %dma_wait3A_86 = arith.constant 0 : i32
        %dma_wait3A_87 = tpu.memref_slice %arg3[%run_scoped3A_52, %mul3A_51, %dma_wait3A_86] : memref<2x4000x80xi32, #tpu.memory_space<hbm>> -> memref<1x126x80xi32, #tpu.memory_space<hbm>>
        %dma_wait3A_88 = tpu.memref_squeeze %dma_wait3A_87 : memref<1x126x80xi32, #tpu.memory_space<hbm>> -> memref<126x80xi32, #tpu.memory_space<hbm>>
        tpu.wait_dma2 semaphore(%run_scoped3A_65 : memref<!tpu.dma_semaphore, #tpu.memory_space<semaphore_mem>>) src(%dma_wait3A_88 : memref<126x80xi32, #tpu.memory_space<hbm>>) dst(%dma_wait3A_85 : memref<126x80xi32, #tpu.memory_space<vmem>>)
        tpu.yield
      }) : () -> ()
      %dma_start3A = arith.constant 0 : i32
      %dma_start3A_53 = arith.constant 0 : i32
      %dma_start3A_54 = tpu.memref_slice %arg5[%dma_start3A, %dma_start3A_53] : memref<126x80xi32, #tpu.memory_space<vmem>> -> memref<1x80xi32, #tpu.memory_space<vmem>>
      %dma_start3A_55 = tpu.memref_squeeze %dma_start3A_54 : memref<1x80xi32, #tpu.memory_space<vmem>> -> memref<80xi32, #tpu.memory_space<vmem>>
      %dma_start3A_56 = arith.constant 0 : i32
      %dma_start3A_57 = arith.constant 0 : i32
      %dma_start3A_58 = tpu.memref_slice %arg2[%dma_start3A_56, %dma_start3A_57] : memref<10000x128xf32, #tpu.memory_space<hbm>> -> memref<10000x128xf32, #tpu.memory_space<hbm>>
      tpu.enqueue_indirect_dma source(%dma_start3A_58 : memref<10000x128xf32, #tpu.memory_space<hbm>>) target(%arg7 : memref<80x128xf32, #tpu.memory_space<vmem>>) offsets(%dma_start3A_55 : memref<80xi32, #tpu.memory_space<vmem>>) semaphore(%arg10 : memref<!tpu.dma_semaphore, #tpu.memory_space<semaphore_mem>>)
      %barrier3A_59 = arith.constant 0 : index
      tpu.barrier barrier_id(%barrier3A_59)
      %scan3A_60 = arith.constant 0 : i32
      %scan3A_61 = arith.constant 63 : i32
      %scan3A_62 = arith.addi %scan3A_60, %scan3A_61 : i32
      %scan3A_63 = arith.constant 1 : i32
      scf.for %scan3A_65 = %scan3A_60 to %scan3A_62 step %scan3A_63  : i32 {
        %mul3A_66 = arith.constant 2 : i32
        %mul3A_67 = arith.muli %mul3A_66, %scan3A_65 : i32
        %add3A_68 = arith.constant 1 : i32
        %add3A_69 = arith.addi %mul3A_67, %add3A_68 : i32
        %dma_start3A_70 = arith.constant 0 : i32
        %dma_start3A_71 = tpu.memref_slice %arg5[%add3A_69, %dma_start3A_70] : memref<126x80xi32, #tpu.memory_space<vmem>> -> memref<1x80xi32, #tpu.memory_space<vmem>>
        %dma_start3A_72 = tpu.memref_squeeze %dma_start3A_71 : memref<1x80xi32, #tpu.memory_space<vmem>> -> memref<80xi32, #tpu.memory_space<vmem>>
        %dma_start3A_73 = arith.constant 0 : i32
        %dma_start3A_74 = arith.constant 0 : i32
        %dma_start3A_75 = tpu.memref_slice %arg2[%dma_start3A_73, %dma_start3A_74] : memref<10000x128xf32, #tpu.memory_space<hbm>> -> memref<10000x128xf32, #tpu.memory_space<hbm>>
        tpu.enqueue_indirect_dma source(%dma_start3A_75 : memref<10000x128xf32, #tpu.memory_space<hbm>>) target(%arg8 : memref<80x128xf32, #tpu.memory_space<vmem>>) offsets(%dma_start3A_72 : memref<80xi32, #tpu.memory_space<vmem>>) semaphore(%arg11 : memref<!tpu.dma_semaphore, #tpu.memory_space<semaphore_mem>>)
        %dma_wait3A = arith.constant 0 : i32
        %dma_wait3A_76 = tpu.memref_slice %arg5[%mul3A_67, %dma_wait3A] : memref<126x80xi32, #tpu.memory_space<vmem>> -> memref<1x80xi32, #tpu.memory_space<vmem>>
        %dma_wait3A_77 = tpu.memref_squeeze %dma_wait3A_76 : memref<1x80xi32, #tpu.memory_space<vmem>> -> memref<80xi32, #tpu.memory_space<vmem>>
        %dma_wait3A_78 = arith.constant 0 : i32
        %dma_wait3A_79 = arith.constant 0 : i32
        %dma_wait3A_80 = tpu.memref_slice %arg2[%dma_wait3A_78, %dma_wait3A_79] : memref<10000x128xf32, #tpu.memory_space<hbm>> -> memref<10000x128xf32, #tpu.memory_space<hbm>>
        tpu.wait_indirect_dma semaphore(%arg10 : memref<!tpu.dma_semaphore, #tpu.memory_space<semaphore_mem>>) src(%dma_wait3A_80 : memref<10000x128xf32, #tpu.memory_space<hbm>>) dst(%arg7 : memref<80x128xf32, #tpu.memory_space<vmem>>)
        %add3A_81 = arith.constant 0 : i32
        %add3A_82 = vector.broadcast %add3A_81 : i32 to vector<16xi32>
        %add3A_83 = arith.addi %iota3A, %add3A_82 : vector<16xi32>
        tpu.vector_store_idx %arg7[%add3A_83, %broadcast_in_dim3A_4], %broadcast_in_dim3A_2 : memref<80x128xf32, #tpu.memory_space<vmem>>[vector<16xi32>, vector<16xi32>], vector<16xf32>,
        %add3A_84 = arith.constant 16 : i32
        %add3A_85 = vector.broadcast %add3A_84 : i32 to vector<16xi32>
        %add3A_86 = arith.addi %iota3A, %add3A_85 : vector<16xi32>
        tpu.vector_store_idx %arg7[%add3A_86, %broadcast_in_dim3A_4], %broadcast_in_dim3A_2 : memref<80x128xf32, #tpu.memory_space<vmem>>[vector<16xi32>, vector<16xi32>], vector<16xf32>,
        %add3A_87 = arith.constant 32 : i32
        %add3A_88 = vector.broadcast %add3A_87 : i32 to vector<16xi32>
        %add3A_89 = arith.addi %iota3A, %add3A_88 : vector<16xi32>
        tpu.vector_store_idx %arg7[%add3A_89, %broadcast_in_dim3A_4], %broadcast_in_dim3A_2 : memref<80x128xf32, #tpu.memory_space<vmem>>[vector<16xi32>, vector<16xi32>], vector<16xf32>,
        %add3A_90 = arith.constant 48 : i32
        %add3A_91 = vector.broadcast %add3A_90 : i32 to vector<16xi32>
        %add3A_92 = arith.addi %iota3A, %add3A_91 : vector<16xi32>
        tpu.vector_store_idx %arg7[%add3A_92, %broadcast_in_dim3A_4], %broadcast_in_dim3A_2 : memref<80x128xf32, #tpu.memory_space<vmem>>[vector<16xi32>, vector<16xi32>], vector<16xf32>,
        %add3A_93 = arith.constant 64 : i32
        %add3A_94 = vector.broadcast %add3A_93 : i32 to vector<16xi32>
        %add3A_95 = arith.addi %iota3A, %add3A_94 : vector<16xi32>
        tpu.vector_store_idx %arg7[%add3A_95, %broadcast_in_dim3A_4], %broadcast_in_dim3A_2 : memref<80x128xf32, #tpu.memory_space<vmem>>[vector<16xi32>, vector<16xi32>], vector<16xf32>,
        "tpu.region"() ({
          %run_scoped3A_127 = tpu.sem_alloc : memref<!tpu.dma_semaphore, #tpu.memory_space<semaphore_mem>>
          %dma_start3A_128 = arith.constant 0 : i32
          %dma_start3A_129 = tpu.memref_slice %arg6[%mul3A_67, %dma_start3A_128] : memref<126x80xi32, #tpu.memory_space<vmem>> -> memref<1x80xi32, #tpu.memory_space<vmem>>
          %dma_start3A_130 = tpu.memref_squeeze %dma_start3A_129 : memref<1x80xi32, #tpu.memory_space<vmem>> -> memref<80xi32, #tpu.memory_space<vmem>>
          %dma_start3A_131 = arith.constant 0 : i32
          %dma_start3A_132 = arith.constant 0 : i32
          %dma_start3A_133 = tpu.memref_slice %arg9[%dma_start3A_131, %dma_start3A_132] : memref<10112x128xf32, #tpu.memory_space<vmem_shared>> -> memref<10112x128xf32, #tpu.memory_space<vmem_shared>>
          tpu.enqueue_indirect_dma source(%arg7 : memref<80x128xf32, #tpu.memory_space<vmem>>) target(%dma_start3A_133 : memref<10112x128xf32, #tpu.memory_space<vmem_shared>>) offsets(%dma_start3A_130 : memref<80xi32, #tpu.memory_space<vmem>>) semaphore(%run_scoped3A_127 : memref<!tpu.dma_semaphore, #tpu.memory_space<semaphore_mem>>) {add = true}
          %dma_wait3A_134 = arith.constant 0 : i32
          %dma_wait3A_135 = tpu.memref_slice %arg6[%mul3A_67, %dma_wait3A_134] : memref<126x80xi32, #tpu.memory_space<vmem>> -> memref<1x80xi32, #tpu.memory_space<vmem>>
          %dma_wait3A_136 = tpu.memref_squeeze %dma_wait3A_135 : memref<1x80xi32, #tpu.memory_space<vmem>> -> memref<80xi32, #tpu.memory_space<vmem>>
          %dma_wait3A_137 = arith.constant 0 : i32
          %dma_wait3A_138 = arith.constant 0 : i32
          %dma_wait3A_139 = tpu.memref_slice %arg9[%dma_wait3A_137, %dma_wait3A_138] : memref<10112x128xf32, #tpu.memory_space<vmem_shared>> -> memref<10112x128xf32, #tpu.memory_space<vmem_shared>>
          tpu.wait_indirect_dma semaphore(%run_scoped3A_127 : memref<!tpu.dma_semaphore, #tpu.memory_space<semaphore_mem>>) src(%arg7 : memref<80x128xf32, #tpu.memory_space<vmem>>) dst(%dma_wait3A_139 : memref<10112x128xf32, #tpu.memory_space<vmem_shared>>)
          tpu.yield
        }) : () -> ()
        %add3A_96 = arith.constant 2 : i32
        %add3A_97 = arith.addi %mul3A_67, %add3A_96 : i32
        %lt3A = arith.constant 126 : i32
        %lt3A_98 = arith.cmpi slt, %add3A_97, %lt3A : i32
        %convert_element_type3A_99 = arith.extui %lt3A_98 : i1 to i32
        %cond3A_100 = arith.constant 0 : i32
        %cond3A_101 = arith.cmpi ne, %convert_element_type3A_99, %cond3A_100 : i32
        scf.if %cond3A_101 {
          %add3A_127 = arith.constant 2 : i32
          %add3A_128 = arith.addi %mul3A_67, %add3A_127 : i32
          %dma_start3A_129 = arith.constant 0 : i32
          %dma_start3A_130 = tpu.memref_slice %arg5[%add3A_128, %dma_start3A_129] : memref<126x80xi32, #tpu.memory_space<vmem>> -> memref<1x80xi32, #tpu.memory_space<vmem>>
          %dma_start3A_131 = tpu.memref_squeeze %dma_start3A_130 : memref<1x80xi32, #tpu.memory_space<vmem>> -> memref<80xi32, #tpu.memory_space<vmem>>
          %dma_start3A_132 = arith.constant 0 : i32
          %dma_start3A_133 = arith.constant 0 : i32
          %dma_start3A_134 = tpu.memref_slice %arg2[%dma_start3A_132, %dma_start3A_133] : memref<10000x128xf32, #tpu.memory_space<hbm>> -> memref<10000x128xf32, #tpu.memory_space<hbm>>
          tpu.enqueue_indirect_dma source(%dma_start3A_134 : memref<10000x128xf32, #tpu.memory_space<hbm>>) target(%arg7 : memref<80x128xf32, #tpu.memory_space<vmem>>) offsets(%dma_start3A_131 : memref<80xi32, #tpu.memory_space<vmem>>) semaphore(%arg10 : memref<!tpu.dma_semaphore, #tpu.memory_space<semaphore_mem>>)
        } else {
        }
        %add3A_102 = arith.constant 1 : i32
        %add3A_103 = arith.addi %mul3A_67, %add3A_102 : i32
        %dma_wait3A_104 = arith.constant 0 : i32
        %dma_wait3A_105 = tpu.memref_slice %arg5[%add3A_103, %dma_wait3A_104] : memref<126x80xi32, #tpu.memory_space<vmem>> -> memref<1x80xi32, #tpu.memory_space<vmem>>
        %dma_wait3A_106 = tpu.memref_squeeze %dma_wait3A_105 : memref<1x80xi32, #tpu.memory_space<vmem>> -> memref<80xi32, #tpu.memory_space<vmem>>
        %dma_wait3A_107 = arith.constant 0 : i32
        %dma_wait3A_108 = arith.constant 0 : i32
        %dma_wait3A_109 = tpu.memref_slice %arg2[%dma_wait3A_107, %dma_wait3A_108] : memref<10000x128xf32, #tpu.memory_space<hbm>> -> memref<10000x128xf32, #tpu.memory_space<hbm>>
        tpu.wait_indirect_dma semaphore(%arg11 : memref<!tpu.dma_semaphore, #tpu.memory_space<semaphore_mem>>) src(%dma_wait3A_109 : memref<10000x128xf32, #tpu.memory_space<hbm>>) dst(%arg8 : memref<80x128xf32, #tpu.memory_space<vmem>>)
        %add3A_110 = arith.constant 0 : i32
        %add3A_111 = vector.broadcast %add3A_110 : i32 to vector<16xi32>
        %add3A_112 = arith.addi %iota3A, %add3A_111 : vector<16xi32>
        tpu.vector_store_idx %arg8[%add3A_112, %broadcast_in_dim3A_4], %broadcast_in_dim3A_2 : memref<80x128xf32, #tpu.memory_space<vmem>>[vector<16xi32>, vector<16xi32>], vector<16xf32>,
        %add3A_113 = arith.constant 16 : i32
        %add3A_114 = vector.broadcast %add3A_113 : i32 to vector<16xi32>
        %add3A_115 = arith.addi %iota3A, %add3A_114 : vector<16xi32>
        tpu.vector_store_idx %arg8[%add3A_115, %broadcast_in_dim3A_4], %broadcast_in_dim3A_2 : memref<80x128xf32, #tpu.memory_space<vmem>>[vector<16xi32>, vector<16xi32>], vector<16xf32>,
        %add3A_116 = arith.constant 32 : i32
        %add3A_117 = vector.broadcast %add3A_116 : i32 to vector<16xi32>
        %add3A_118 = arith.addi %iota3A, %add3A_117 : vector<16xi32>
        tpu.vector_store_idx %arg8[%add3A_118, %broadcast_in_dim3A_4], %broadcast_in_dim3A_2 : memref<80x128xf32, #tpu.memory_space<vmem>>[vector<16xi32>, vector<16xi32>], vector<16xf32>,
        %add3A_119 = arith.constant 48 : i32
        %add3A_120 = vector.broadcast %add3A_119 : i32 to vector<16xi32>
        %add3A_121 = arith.addi %iota3A, %add3A_120 : vector<16xi32>
        tpu.vector_store_idx %arg8[%add3A_121, %broadcast_in_dim3A_4], %broadcast_in_dim3A_2 : memref<80x128xf32, #tpu.memory_space<vmem>>[vector<16xi32>, vector<16xi32>], vector<16xf32>,
        %add3A_122 = arith.constant 64 : i32
        %add3A_123 = vector.broadcast %add3A_122 : i32 to vector<16xi32>
        %add3A_124 = arith.addi %iota3A, %add3A_123 : vector<16xi32>
        tpu.vector_store_idx %arg8[%add3A_124, %broadcast_in_dim3A_4], %broadcast_in_dim3A_2 : memref<80x128xf32, #tpu.memory_space<vmem>>[vector<16xi32>, vector<16xi32>], vector<16xf32>,
        %add3A_125 = arith.constant 1 : i32
        %add3A_126 = arith.addi %mul3A_67, %add3A_125 : i32
        "tpu.region"() ({
          %run_scoped3A_127 = tpu.sem_alloc : memref<!tpu.dma_semaphore, #tpu.memory_space<semaphore_mem>>
          %dma_start3A_128 = arith.constant 0 : i32
          %dma_start3A_129 = tpu.memref_slice %arg6[%add3A_126, %dma_start3A_128] : memref<126x80xi32, #tpu.memory_space<vmem>> -> memref<1x80xi32, #tpu.memory_space<vmem>>
          %dma_start3A_130 = tpu.memref_squeeze %dma_start3A_129 : memref<1x80xi32, #tpu.memory_space<vmem>> -> memref<80xi32, #tpu.memory_space<vmem>>
          %dma_start3A_131 = arith.constant 0 : i32
          %dma_start3A_132 = arith.constant 0 : i32
          %dma_start3A_133 = tpu.memref_slice %arg9[%dma_start3A_131, %dma_start3A_132] : memref<10112x128xf32, #tpu.memory_space<vmem_shared>> -> memref<10112x128xf32, #tpu.memory_space<vmem_shared>>
          tpu.enqueue_indirect_dma source(%arg8 : memref<80x128xf32, #tpu.memory_space<vmem>>) target(%dma_start3A_133 : memref<10112x128xf32, #tpu.memory_space<vmem_shared>>) offsets(%dma_start3A_130 : memref<80xi32, #tpu.memory_space<vmem>>) semaphore(%run_scoped3A_127 : memref<!tpu.dma_semaphore, #tpu.memory_space<semaphore_mem>>) {add = true}
          %dma_wait3A_134 = arith.constant 0 : i32
          %dma_wait3A_135 = tpu.memref_slice %arg6[%add3A_126, %dma_wait3A_134] : memref<126x80xi32, #tpu.memory_space<vmem>> -> memref<1x80xi32, #tpu.memory_space<vmem>>
          %dma_wait3A_136 = tpu.memref_squeeze %dma_wait3A_135 : memref<1x80xi32, #tpu.memory_space<vmem>> -> memref<80xi32, #tpu.memory_space<vmem>>
          %dma_wait3A_137 = arith.constant 0 : i32
          %dma_wait3A_138 = arith.constant 0 : i32
          %dma_wait3A_139 = tpu.memref_slice %arg9[%dma_wait3A_137, %dma_wait3A_138] : memref<10112x128xf32, #tpu.memory_space<vmem_shared>> -> memref<10112x128xf32, #tpu.memory_space<vmem_shared>>
          tpu.wait_indirect_dma semaphore(%run_scoped3A_127 : memref<!tpu.dma_semaphore, #tpu.memory_space<semaphore_mem>>) src(%arg8 : memref<80x128xf32, #tpu.memory_space<vmem>>) dst(%dma_wait3A_139 : memref<10112x128xf32, #tpu.memory_space<vmem_shared>>)
          tpu.yield
        }) : () -> ()
      }
      %scan3A_64 = arith.constant 63 : i32
    } else {
    }
    %eq3A_41 = arith.constant 1 : i32
    %eq3A_42 = arith.cmpi eq, %arg0, %eq3A_41 : i32
    %convert_element_type3A_43 = arith.extui %eq3A_42 : i1 to i32
    %cond3A_44 = arith.constant 0 : i32
    %cond3A_45 = arith.cmpi ne, %convert_element_type3A_43, %cond3A_44 : i32
    scf.if %cond3A_45 {
      %mul3A_50 = arith.constant 124 : i32
      %mul3A_51 = arith.muli %arg1, %mul3A_50 : i32
      %add3A_52 = arith.constant 2016 : i32
      %add3A_53 = arith.addi %add3A_52, %mul3A_51 : i32
      %run_scoped3A = arith.constant 0 : i32
      "tpu.region"() ({
        %run_scoped3A_67 = tpu.sem_alloc : memref<!tpu.dma_semaphore, #tpu.memory_space<semaphore_mem>>
        %dma_start3A_68 = arith.constant 0 : i32
        %dma_start3A_69 = arith.constant 0 : i32
        %dma_start3A_70 = tpu.memref_slice %arg5[%dma_start3A_68, %dma_start3A_69] : memref<126x80xi32, #tpu.memory_space<vmem>> -> memref<124x80xi32, #tpu.memory_space<vmem>>
        %dma_start3A_71 = arith.constant 0 : i32
        %dma_start3A_72 = tpu.memref_slice %arg3[%run_scoped3A, %add3A_53, %dma_start3A_71] : memref<2x4000x80xi32, #tpu.memory_space<hbm>> -> memref<1x124x80xi32, #tpu.memory_space<hbm>>
        %dma_start3A_73 = tpu.memref_squeeze %dma_start3A_72 : memref<1x124x80xi32, #tpu.memory_space<hbm>> -> memref<124x80xi32, #tpu.memory_space<hbm>>
        %dma_start3A_74 = arith.constant 0 : i32
        %dma_start3A_75 = arith.constant 0 : i32
        %dma_start3A_76 = tpu.memref_slice %arg5[%dma_start3A_74, %dma_start3A_75] : memref<126x80xi32, #tpu.memory_space<vmem>> -> memref<124x80xi32, #tpu.memory_space<vmem>>
        %dma_start3A_77 = arith.constant 0 : i32
        %dma_start3A_78 = tpu.memref_slice %arg3[%run_scoped3A, %add3A_53, %dma_start3A_77] : memref<2x4000x80xi32, #tpu.memory_space<hbm>> -> memref<1x124x80xi32, #tpu.memory_space<hbm>>
        %dma_start3A_79 = tpu.memref_squeeze %dma_start3A_78 : memref<1x124x80xi32, #tpu.memory_space<hbm>> -> memref<124x80xi32, #tpu.memory_space<hbm>>
        tpu.enqueue_dma source(%dma_start3A_79 : memref<124x80xi32, #tpu.memory_space<hbm>>) target(%dma_start3A_76 : memref<124x80xi32, #tpu.memory_space<vmem>>) target_semaphore(%run_scoped3A_67 : memref<!tpu.dma_semaphore, #tpu.memory_space<semaphore_mem>>)
        %dma_wait3A = arith.constant 0 : i32
        %dma_wait3A_80 = arith.constant 0 : i32
        %dma_wait3A_81 = tpu.memref_slice %arg5[%dma_wait3A, %dma_wait3A_80] : memref<126x80xi32, #tpu.memory_space<vmem>> -> memref<124x80xi32, #tpu.memory_space<vmem>>
        %dma_wait3A_82 = arith.constant 0 : i32
        %dma_wait3A_83 = tpu.memref_slice %arg3[%run_scoped3A, %add3A_53, %dma_wait3A_82] : memref<2x4000x80xi32, #tpu.memory_space<hbm>> -> memref<1x124x80xi32, #tpu.memory_space<hbm>>
        %dma_wait3A_84 = tpu.memref_squeeze %dma_wait3A_83 : memref<1x124x80xi32, #tpu.memory_space<hbm>> -> memref<124x80xi32, #tpu.memory_space<hbm>>
        %dma_wait3A_85 = arith.constant 0 : i32
        %dma_wait3A_86 = arith.constant 0 : i32
        %dma_wait3A_87 = tpu.memref_slice %arg5[%dma_wait3A_85, %dma_wait3A_86] : memref<126x80xi32, #tpu.memory_space<vmem>> -> memref<124x80xi32, #tpu.memory_space<vmem>>
        %dma_wait3A_88 = arith.constant 0 : i32
        %dma_wait3A_89 = tpu.memref_slice %arg3[%run_scoped3A, %add3A_53, %dma_wait3A_88] : memref<2x4000x80xi32, #tpu.memory_space<hbm>> -> memref<1x124x80xi32, #tpu.memory_space<hbm>>
        %dma_wait3A_90 = tpu.memref_squeeze %dma_wait3A_89 : memref<1x124x80xi32, #tpu.memory_space<hbm>> -> memref<124x80xi32, #tpu.memory_space<hbm>>
        tpu.wait_dma2 semaphore(%run_scoped3A_67 : memref<!tpu.dma_semaphore, #tpu.memory_space<semaphore_mem>>) src(%dma_wait3A_90 : memref<124x80xi32, #tpu.memory_space<hbm>>) dst(%dma_wait3A_87 : memref<124x80xi32, #tpu.memory_space<vmem>>)
        tpu.yield
      }) : () -> ()
      %run_scoped3A_54 = arith.constant 1 : i32
      "tpu.region"() ({
        %run_scoped3A_67 = tpu.sem_alloc : memref<!tpu.dma_semaphore, #tpu.memory_space<semaphore_mem>>
        %dma_start3A_68 = arith.constant 0 : i32
        %dma_start3A_69 = arith.constant 0 : i32
        %dma_start3A_70 = tpu.memref_slice %arg6[%dma_start3A_68, %dma_start3A_69] : memref<126x80xi32, #tpu.memory_space<vmem>> -> memref<124x80xi32, #tpu.memory_space<vmem>>
        %dma_start3A_71 = arith.constant 0 : i32
        %dma_start3A_72 = tpu.memref_slice %arg3[%run_scoped3A_54, %add3A_53, %dma_start3A_71] : memref<2x4000x80xi32, #tpu.memory_space<hbm>> -> memref<1x124x80xi32, #tpu.memory_space<hbm>>
        %dma_start3A_73 = tpu.memref_squeeze %dma_start3A_72 : memref<1x124x80xi32, #tpu.memory_space<hbm>> -> memref<124x80xi32, #tpu.memory_space<hbm>>
        %dma_start3A_74 = arith.constant 0 : i32
        %dma_start3A_75 = arith.constant 0 : i32
        %dma_start3A_76 = tpu.memref_slice %arg6[%dma_start3A_74, %dma_start3A_75] : memref<126x80xi32, #tpu.memory_space<vmem>> -> memref<124x80xi32, #tpu.memory_space<vmem>>
        %dma_start3A_77 = arith.constant 0 : i32
        %dma_start3A_78 = tpu.memref_slice %arg3[%run_scoped3A_54, %add3A_53, %dma_start3A_77] : memref<2x4000x80xi32, #tpu.memory_space<hbm>> -> memref<1x124x80xi32, #tpu.memory_space<hbm>>
        %dma_start3A_79 = tpu.memref_squeeze %dma_start3A_78 : memref<1x124x80xi32, #tpu.memory_space<hbm>> -> memref<124x80xi32, #tpu.memory_space<hbm>>
        tpu.enqueue_dma source(%dma_start3A_79 : memref<124x80xi32, #tpu.memory_space<hbm>>) target(%dma_start3A_76 : memref<124x80xi32, #tpu.memory_space<vmem>>) target_semaphore(%run_scoped3A_67 : memref<!tpu.dma_semaphore, #tpu.memory_space<semaphore_mem>>)
        %dma_wait3A = arith.constant 0 : i32
        %dma_wait3A_80 = arith.constant 0 : i32
        %dma_wait3A_81 = tpu.memref_slice %arg6[%dma_wait3A, %dma_wait3A_80] : memref<126x80xi32, #tpu.memory_space<vmem>> -> memref<124x80xi32, #tpu.memory_space<vmem>>
        %dma_wait3A_82 = arith.constant 0 : i32
        %dma_wait3A_83 = tpu.memref_slice %arg3[%run_scoped3A_54, %add3A_53, %dma_wait3A_82] : memref<2x4000x80xi32, #tpu.memory_space<hbm>> -> memref<1x124x80xi32, #tpu.memory_space<hbm>>
        %dma_wait3A_84 = tpu.memref_squeeze %dma_wait3A_83 : memref<1x124x80xi32, #tpu.memory_space<hbm>> -> memref<124x80xi32, #tpu.memory_space<hbm>>
        %dma_wait3A_85 = arith.constant 0 : i32
        %dma_wait3A_86 = arith.constant 0 : i32
        %dma_wait3A_87 = tpu.memref_slice %arg6[%dma_wait3A_85, %dma_wait3A_86] : memref<126x80xi32, #tpu.memory_space<vmem>> -> memref<124x80xi32, #tpu.memory_space<vmem>>
        %dma_wait3A_88 = arith.constant 0 : i32
        %dma_wait3A_89 = tpu.memref_slice %arg3[%run_scoped3A_54, %add3A_53, %dma_wait3A_88] : memref<2x4000x80xi32, #tpu.memory_space<hbm>> -> memref<1x124x80xi32, #tpu.memory_space<hbm>>
        %dma_wait3A_90 = tpu.memref_squeeze %dma_wait3A_89 : memref<1x124x80xi32, #tpu.memory_space<hbm>> -> memref<124x80xi32, #tpu.memory_space<hbm>>
        tpu.wait_dma2 semaphore(%run_scoped3A_67 : memref<!tpu.dma_semaphore, #tpu.memory_space<semaphore_mem>>) src(%dma_wait3A_90 : memref<124x80xi32, #tpu.memory_space<hbm>>) dst(%dma_wait3A_87 : memref<124x80xi32, #tpu.memory_space<vmem>>)
        tpu.yield
      }) : () -> ()
      %dma_start3A = arith.constant 0 : i32
      %dma_start3A_55 = arith.constant 0 : i32
      %dma_start3A_56 = tpu.memref_slice %arg5[%dma_start3A, %dma_start3A_55] : memref<126x80xi32, #tpu.memory_space<vmem>> -> memref<1x80xi32, #tpu.memory_space<vmem>>
      %dma_start3A_57 = tpu.memref_squeeze %dma_start3A_56 : memref<1x80xi32, #tpu.memory_space<vmem>> -> memref<80xi32, #tpu.memory_space<vmem>>
      %dma_start3A_58 = arith.constant 0 : i32
      %dma_start3A_59 = arith.constant 0 : i32
      %dma_start3A_60 = tpu.memref_slice %arg2[%dma_start3A_58, %dma_start3A_59] : memref<10000x128xf32, #tpu.memory_space<hbm>> -> memref<10000x128xf32, #tpu.memory_space<hbm>>
      tpu.enqueue_indirect_dma source(%dma_start3A_60 : memref<10000x128xf32, #tpu.memory_space<hbm>>) target(%arg7 : memref<80x128xf32, #tpu.memory_space<vmem>>) offsets(%dma_start3A_57 : memref<80xi32, #tpu.memory_space<vmem>>) semaphore(%arg10 : memref<!tpu.dma_semaphore, #tpu.memory_space<semaphore_mem>>)
      %barrier3A_61 = arith.constant 0 : index
      tpu.barrier barrier_id(%barrier3A_61)
      %scan3A_62 = arith.constant 0 : i32
      %scan3A_63 = arith.constant 62 : i32
      %scan3A_64 = arith.addi %scan3A_62, %scan3A_63 : i32
      %scan3A_65 = arith.constant 1 : i32
      scf.for %scan3A_67 = %scan3A_62 to %scan3A_64 step %scan3A_65  : i32 {
        %mul3A_68 = arith.constant 2 : i32
        %mul3A_69 = arith.muli %mul3A_68, %scan3A_67 : i32
        %add3A_70 = arith.constant 1 : i32
        %add3A_71 = arith.addi %mul3A_69, %add3A_70 : i32
        %dma_start3A_72 = arith.constant 0 : i32
        %dma_start3A_73 = tpu.memref_slice %arg5[%add3A_71, %dma_start3A_72] : memref<126x80xi32, #tpu.memory_space<vmem>> -> memref<1x80xi32, #tpu.memory_space<vmem>>
        %dma_start3A_74 = tpu.memref_squeeze %dma_start3A_73 : memref<1x80xi32, #tpu.memory_space<vmem>> -> memref<80xi32, #tpu.memory_space<vmem>>
        %dma_start3A_75 = arith.constant 0 : i32
        %dma_start3A_76 = arith.constant 0 : i32
        %dma_start3A_77 = tpu.memref_slice %arg2[%dma_start3A_75, %dma_start3A_76] : memref<10000x128xf32, #tpu.memory_space<hbm>> -> memref<10000x128xf32, #tpu.memory_space<hbm>>
        tpu.enqueue_indirect_dma source(%dma_start3A_77 : memref<10000x128xf32, #tpu.memory_space<hbm>>) target(%arg8 : memref<80x128xf32, #tpu.memory_space<vmem>>) offsets(%dma_start3A_74 : memref<80xi32, #tpu.memory_space<vmem>>) semaphore(%arg11 : memref<!tpu.dma_semaphore, #tpu.memory_space<semaphore_mem>>)
        %dma_wait3A = arith.constant 0 : i32
        %dma_wait3A_78 = tpu.memref_slice %arg5[%mul3A_69, %dma_wait3A] : memref<126x80xi32, #tpu.memory_space<vmem>> -> memref<1x80xi32, #tpu.memory_space<vmem>>
        %dma_wait3A_79 = tpu.memref_squeeze %dma_wait3A_78 : memref<1x80xi32, #tpu.memory_space<vmem>> -> memref<80xi32, #tpu.memory_space<vmem>>
        %dma_wait3A_80 = arith.constant 0 : i32
        %dma_wait3A_81 = arith.constant 0 : i32
        %dma_wait3A_82 = tpu.memref_slice %arg2[%dma_wait3A_80, %dma_wait3A_81] : memref<10000x128xf32, #tpu.memory_space<hbm>> -> memref<10000x128xf32, #tpu.memory_space<hbm>>
        tpu.wait_indirect_dma semaphore(%arg10 : memref<!tpu.dma_semaphore, #tpu.memory_space<semaphore_mem>>) src(%dma_wait3A_82 : memref<10000x128xf32, #tpu.memory_space<hbm>>) dst(%arg7 : memref<80x128xf32, #tpu.memory_space<vmem>>)
        %add3A_83 = arith.constant 0 : i32
        %add3A_84 = vector.broadcast %add3A_83 : i32 to vector<16xi32>
        %add3A_85 = arith.addi %iota3A, %add3A_84 : vector<16xi32>
        tpu.vector_store_idx %arg7[%add3A_85, %broadcast_in_dim3A_4], %broadcast_in_dim3A_2 : memref<80x128xf32, #tpu.memory_space<vmem>>[vector<16xi32>, vector<16xi32>], vector<16xf32>,
        %add3A_86 = arith.constant 16 : i32
        %add3A_87 = vector.broadcast %add3A_86 : i32 to vector<16xi32>
        %add3A_88 = arith.addi %iota3A, %add3A_87 : vector<16xi32>
        tpu.vector_store_idx %arg7[%add3A_88, %broadcast_in_dim3A_4], %broadcast_in_dim3A_2 : memref<80x128xf32, #tpu.memory_space<vmem>>[vector<16xi32>, vector<16xi32>], vector<16xf32>,
        %add3A_89 = arith.constant 32 : i32
        %add3A_90 = vector.broadcast %add3A_89 : i32 to vector<16xi32>
        %add3A_91 = arith.addi %iota3A, %add3A_90 : vector<16xi32>
        tpu.vector_store_idx %arg7[%add3A_91, %broadcast_in_dim3A_4], %broadcast_in_dim3A_2 : memref<80x128xf32, #tpu.memory_space<vmem>>[vector<16xi32>, vector<16xi32>], vector<16xf32>,
        %add3A_92 = arith.constant 48 : i32
        %add3A_93 = vector.broadcast %add3A_92 : i32 to vector<16xi32>
        %add3A_94 = arith.addi %iota3A, %add3A_93 : vector<16xi32>
        tpu.vector_store_idx %arg7[%add3A_94, %broadcast_in_dim3A_4], %broadcast_in_dim3A_2 : memref<80x128xf32, #tpu.memory_space<vmem>>[vector<16xi32>, vector<16xi32>], vector<16xf32>,
        %add3A_95 = arith.constant 64 : i32
        %add3A_96 = vector.broadcast %add3A_95 : i32 to vector<16xi32>
        %add3A_97 = arith.addi %iota3A, %add3A_96 : vector<16xi32>
        tpu.vector_store_idx %arg7[%add3A_97, %broadcast_in_dim3A_4], %broadcast_in_dim3A_2 : memref<80x128xf32, #tpu.memory_space<vmem>>[vector<16xi32>, vector<16xi32>], vector<16xf32>,
        "tpu.region"() ({
          %run_scoped3A_129 = tpu.sem_alloc : memref<!tpu.dma_semaphore, #tpu.memory_space<semaphore_mem>>
          %dma_start3A_130 = arith.constant 0 : i32
          %dma_start3A_131 = tpu.memref_slice %arg6[%mul3A_69, %dma_start3A_130] : memref<126x80xi32, #tpu.memory_space<vmem>> -> memref<1x80xi32, #tpu.memory_space<vmem>>
          %dma_start3A_132 = tpu.memref_squeeze %dma_start3A_131 : memref<1x80xi32, #tpu.memory_space<vmem>> -> memref<80xi32, #tpu.memory_space<vmem>>
          %dma_start3A_133 = arith.constant 0 : i32
          %dma_start3A_134 = arith.constant 0 : i32
          %dma_start3A_135 = tpu.memref_slice %arg9[%dma_start3A_133, %dma_start3A_134] : memref<10112x128xf32, #tpu.memory_space<vmem_shared>> -> memref<10112x128xf32, #tpu.memory_space<vmem_shared>>
          tpu.enqueue_indirect_dma source(%arg7 : memref<80x128xf32, #tpu.memory_space<vmem>>) target(%dma_start3A_135 : memref<10112x128xf32, #tpu.memory_space<vmem_shared>>) offsets(%dma_start3A_132 : memref<80xi32, #tpu.memory_space<vmem>>) semaphore(%run_scoped3A_129 : memref<!tpu.dma_semaphore, #tpu.memory_space<semaphore_mem>>) {add = true}
          %dma_wait3A_136 = arith.constant 0 : i32
          %dma_wait3A_137 = tpu.memref_slice %arg6[%mul3A_69, %dma_wait3A_136] : memref<126x80xi32, #tpu.memory_space<vmem>> -> memref<1x80xi32, #tpu.memory_space<vmem>>
          %dma_wait3A_138 = tpu.memref_squeeze %dma_wait3A_137 : memref<1x80xi32, #tpu.memory_space<vmem>> -> memref<80xi32, #tpu.memory_space<vmem>>
          %dma_wait3A_139 = arith.constant 0 : i32
          %dma_wait3A_140 = arith.constant 0 : i32
          %dma_wait3A_141 = tpu.memref_slice %arg9[%dma_wait3A_139, %dma_wait3A_140] : memref<10112x128xf32, #tpu.memory_space<vmem_shared>> -> memref<10112x128xf32, #tpu.memory_space<vmem_shared>>
          tpu.wait_indirect_dma semaphore(%run_scoped3A_129 : memref<!tpu.dma_semaphore, #tpu.memory_space<semaphore_mem>>) src(%arg7 : memref<80x128xf32, #tpu.memory_space<vmem>>) dst(%dma_wait3A_141 : memref<10112x128xf32, #tpu.memory_space<vmem_shared>>)
          tpu.yield
        }) : () -> ()
        %add3A_98 = arith.constant 2 : i32
        %add3A_99 = arith.addi %mul3A_69, %add3A_98 : i32
        %lt3A = arith.constant 124 : i32
        %lt3A_100 = arith.cmpi slt, %add3A_99, %lt3A : i32
        %convert_element_type3A_101 = arith.extui %lt3A_100 : i1 to i32
        %cond3A_102 = arith.constant 0 : i32
        %cond3A_103 = arith.cmpi ne, %convert_element_type3A_101, %cond3A_102 : i32
        scf.if %cond3A_103 {
          %add3A_129 = arith.constant 2 : i32
          %add3A_130 = arith.addi %mul3A_69, %add3A_129 : i32
          %dma_start3A_131 = arith.constant 0 : i32
          %dma_start3A_132 = tpu.memref_slice %arg5[%add3A_130, %dma_start3A_131] : memref<126x80xi32, #tpu.memory_space<vmem>> -> memref<1x80xi32, #tpu.memory_space<vmem>>
          %dma_start3A_133 = tpu.memref_squeeze %dma_start3A_132 : memref<1x80xi32, #tpu.memory_space<vmem>> -> memref<80xi32, #tpu.memory_space<vmem>>
          %dma_start3A_134 = arith.constant 0 : i32
          %dma_start3A_135 = arith.constant 0 : i32
          %dma_start3A_136 = tpu.memref_slice %arg2[%dma_start3A_134, %dma_start3A_135] : memref<10000x128xf32, #tpu.memory_space<hbm>> -> memref<10000x128xf32, #tpu.memory_space<hbm>>
          tpu.enqueue_indirect_dma source(%dma_start3A_136 : memref<10000x128xf32, #tpu.memory_space<hbm>>) target(%arg7 : memref<80x128xf32, #tpu.memory_space<vmem>>) offsets(%dma_start3A_133 : memref<80xi32, #tpu.memory_space<vmem>>) semaphore(%arg10 : memref<!tpu.dma_semaphore, #tpu.memory_space<semaphore_mem>>)
        } else {
        }
        %add3A_104 = arith.constant 1 : i32
        %add3A_105 = arith.addi %mul3A_69, %add3A_104 : i32
        %dma_wait3A_106 = arith.constant 0 : i32
        %dma_wait3A_107 = tpu.memref_slice %arg5[%add3A_105, %dma_wait3A_106] : memref<126x80xi32, #tpu.memory_space<vmem>> -> memref<1x80xi32, #tpu.memory_space<vmem>>
        %dma_wait3A_108 = tpu.memref_squeeze %dma_wait3A_107 : memref<1x80xi32, #tpu.memory_space<vmem>> -> memref<80xi32, #tpu.memory_space<vmem>>
        %dma_wait3A_109 = arith.constant 0 : i32
        %dma_wait3A_110 = arith.constant 0 : i32
        %dma_wait3A_111 = tpu.memref_slice %arg2[%dma_wait3A_109, %dma_wait3A_110] : memref<10000x128xf32, #tpu.memory_space<hbm>> -> memref<10000x128xf32, #tpu.memory_space<hbm>>
        tpu.wait_indirect_dma semaphore(%arg11 : memref<!tpu.dma_semaphore, #tpu.memory_space<semaphore_mem>>) src(%dma_wait3A_111 : memref<10000x128xf32, #tpu.memory_space<hbm>>) dst(%arg8 : memref<80x128xf32, #tpu.memory_space<vmem>>)
        %add3A_112 = arith.constant 0 : i32
        %add3A_113 = vector.broadcast %add3A_112 : i32 to vector<16xi32>
        %add3A_114 = arith.addi %iota3A, %add3A_113 : vector<16xi32>
        tpu.vector_store_idx %arg8[%add3A_114, %broadcast_in_dim3A_4], %broadcast_in_dim3A_2 : memref<80x128xf32, #tpu.memory_space<vmem>>[vector<16xi32>, vector<16xi32>], vector<16xf32>,
        %add3A_115 = arith.constant 16 : i32
        %add3A_116 = vector.broadcast %add3A_115 : i32 to vector<16xi32>
        %add3A_117 = arith.addi %iota3A, %add3A_116 : vector<16xi32>
        tpu.vector_store_idx %arg8[%add3A_117, %broadcast_in_dim3A_4], %broadcast_in_dim3A_2 : memref<80x128xf32, #tpu.memory_space<vmem>>[vector<16xi32>, vector<16xi32>], vector<16xf32>,
        %add3A_118 = arith.constant 32 : i32
        %add3A_119 = vector.broadcast %add3A_118 : i32 to vector<16xi32>
        %add3A_120 = arith.addi %iota3A, %add3A_119 : vector<16xi32>
        tpu.vector_store_idx %arg8[%add3A_120, %broadcast_in_dim3A_4], %broadcast_in_dim3A_2 : memref<80x128xf32, #tpu.memory_space<vmem>>[vector<16xi32>, vector<16xi32>], vector<16xf32>,
        %add3A_121 = arith.constant 48 : i32
        %add3A_122 = vector.broadcast %add3A_121 : i32 to vector<16xi32>
        %add3A_123 = arith.addi %iota3A, %add3A_122 : vector<16xi32>
        tpu.vector_store_idx %arg8[%add3A_123, %broadcast_in_dim3A_4], %broadcast_in_dim3A_2 : memref<80x128xf32, #tpu.memory_space<vmem>>[vector<16xi32>, vector<16xi32>], vector<16xf32>,
        %add3A_124 = arith.constant 64 : i32
        %add3A_125 = vector.broadcast %add3A_124 : i32 to vector<16xi32>
        %add3A_126 = arith.addi %iota3A, %add3A_125 : vector<16xi32>
        tpu.vector_store_idx %arg8[%add3A_126, %broadcast_in_dim3A_4], %broadcast_in_dim3A_2 : memref<80x128xf32, #tpu.memory_space<vmem>>[vector<16xi32>, vector<16xi32>], vector<16xf32>,
        %add3A_127 = arith.constant 1 : i32
        %add3A_128 = arith.addi %mul3A_69, %add3A_127 : i32
        "tpu.region"() ({
          %run_scoped3A_129 = tpu.sem_alloc : memref<!tpu.dma_semaphore, #tpu.memory_space<semaphore_mem>>
          %dma_start3A_130 = arith.constant 0 : i32
          %dma_start3A_131 = tpu.memref_slice %arg6[%add3A_128, %dma_start3A_130] : memref<126x80xi32, #tpu.memory_space<vmem>> -> memref<1x80xi32, #tpu.memory_space<vmem>>
          %dma_start3A_132 = tpu.memref_squeeze %dma_start3A_131 : memref<1x80xi32, #tpu.memory_space<vmem>> -> memref<80xi32, #tpu.memory_space<vmem>>
          %dma_start3A_133 = arith.constant 0 : i32
          %dma_start3A_134 = arith.constant 0 : i32
          %dma_start3A_135 = tpu.memref_slice %arg9[%dma_start3A_133, %dma_start3A_134] : memref<10112x128xf32, #tpu.memory_space<vmem_shared>> -> memref<10112x128xf32, #tpu.memory_space<vmem_shared>>
          tpu.enqueue_indirect_dma source(%arg8 : memref<80x128xf32, #tpu.memory_space<vmem>>) target(%dma_start3A_135 : memref<10112x128xf32, #tpu.memory_space<vmem_shared>>) offsets(%dma_start3A_132 : memref<80xi32, #tpu.memory_space<vmem>>) semaphore(%run_scoped3A_129 : memref<!tpu.dma_semaphore, #tpu.memory_space<semaphore_mem>>) {add = true}
          %dma_wait3A_136 = arith.constant 0 : i32
          %dma_wait3A_137 = tpu.memref_slice %arg6[%add3A_128, %dma_wait3A_136] : memref<126x80xi32, #tpu.memory_space<vmem>> -> memref<1x80xi32, #tpu.memory_space<vmem>>
          %dma_wait3A_138 = tpu.memref_squeeze %dma_wait3A_137 : memref<1x80xi32, #tpu.memory_space<vmem>> -> memref<80xi32, #tpu.memory_space<vmem>>
          %dma_wait3A_139 = arith.constant 0 : i32
          %dma_wait3A_140 = arith.constant 0 : i32
          %dma_wait3A_141 = tpu.memref_slice %arg9[%dma_wait3A_139, %dma_wait3A_140] : memref<10112x128xf32, #tpu.memory_space<vmem_shared>> -> memref<10112x128xf32, #tpu.memory_space<vmem_shared>>
          tpu.wait_indirect_dma semaphore(%run_scoped3A_129 : memref<!tpu.dma_semaphore, #tpu.memory_space<semaphore_mem>>) src(%arg8 : memref<80x128xf32, #tpu.memory_space<vmem>>) dst(%dma_wait3A_141 : memref<10112x128xf32, #tpu.memory_space<vmem_shared>>)
          tpu.yield
        }) : () -> ()
      }
      %scan3A_66 = arith.constant 62 : i32
    } else {
    }
    %barrier3A = arith.constant 0 : index
    tpu.barrier barrier_id(%barrier3A)
    %mul3A_46 = arith.constant 632 : i32
    %mul3A_47 = arith.muli %arg1, %mul3A_46 : i32
    %mul3A_48 = arith.constant 632 : i32
    %mul3A_49 = arith.muli %arg1, %mul3A_48 : i32
    "tpu.region"() ({
      %run_scoped3A = tpu.sem_alloc : memref<!tpu.dma_semaphore, #tpu.memory_space<semaphore_mem>>
      %dma_start3A = arith.constant 0 : i32
      %dma_start3A_50 = tpu.memref_slice %arg4[%arg0, %mul3A_49, %dma_start3A] : memref<2x10112x128xf32, #tpu.memory_space<hbm>> -> memref<1x632x128xf32, #tpu.memory_space<hbm>>
      %dma_start3A_51 = tpu.memref_squeeze %dma_start3A_50 : memref<1x632x128xf32, #tpu.memory_space<hbm>> -> memref<632x128xf32, #tpu.memory_space<hbm>>
      %dma_start3A_52 = arith.constant 0 : i32
      %dma_start3A_53 = tpu.memref_slice %arg9[%mul3A_47, %dma_start3A_52] : memref<10112x128xf32, #tpu.memory_space<vmem_shared>> -> memref<632x128xf32, #tpu.memory_space<vmem_shared>>
      tpu.enqueue_dma source(%dma_start3A_53 : memref<632x128xf32, #tpu.memory_space<vmem_shared>>) target(%dma_start3A_51 : memref<632x128xf32, #tpu.memory_space<hbm>>) target_semaphore(%run_scoped3A : memref<!tpu.dma_semaphore, #tpu.memory_space<semaphore_mem>>)
      %dma_wait3A = arith.constant 0 : i32
      %dma_wait3A_54 = tpu.memref_slice %arg4[%arg0, %mul3A_49, %dma_wait3A] : memref<2x10112x128xf32, #tpu.memory_space<hbm>> -> memref<1x632x128xf32, #tpu.memory_space<hbm>>
      %dma_wait3A_55 = tpu.memref_squeeze %dma_wait3A_54 : memref<1x632x128xf32, #tpu.memory_space<hbm>> -> memref<632x128xf32, #tpu.memory_space<hbm>>
      %dma_wait3A_56 = arith.constant 0 : i32
      %dma_wait3A_57 = tpu.memref_slice %arg9[%mul3A_47, %dma_wait3A_56] : memref<10112x128xf32, #tpu.memory_space<vmem_shared>> -> memref<632x128xf32, #tpu.memory_space<vmem_shared>>
      tpu.wait_dma2 semaphore(%run_scoped3A : memref<!tpu.dma_semaphore, #tpu.memory_space<semaphore_mem>>) src(%dma_wait3A_57 : memref<632x128xf32, #tpu.memory_space<vmem_shared>>) dst(%dma_wait3A_55 : memref<632x128xf32, #tpu.memory_space<hbm>>)
      tpu.yield
    }) : () -> ()
    return
  }
}

module attributes {stable_mosaic.version = 14 : i64} {
  func.func @_tc_dense_body(%arg0: i32, %arg1: memref<2528x128xf32, #tpu.memory_space<vmem>>, %arg2: memref<2x2528x128xf32, #tpu.memory_space<vmem>>, %arg3: memref<256x192xf32, #tpu.memory_space<vmem>>, %arg4: memref<1x192xf32, #tpu.memory_space<vmem>>, %arg5: memref<192x128xf32, #tpu.memory_space<vmem>>, %arg6: memref<1x128xf32, #tpu.memory_space<vmem>>, %arg7: memref<128x192xf32, #tpu.memory_space<vmem>>, %arg8: memref<1x192xf32, #tpu.memory_space<vmem>>, %arg9: memref<192x256xf32, #tpu.memory_space<vmem>>, %arg10: memref<1x256xf32, #tpu.memory_space<vmem>>, %arg11: memref<2528x128xf32, #tpu.memory_space<vmem>>, %arg12: memref<2528x256xf32, #tpu.memory_space<vmem>>) attributes {dimension_semantics = [#tpu.dimension_semantics<arbitrary>], iteration_bounds = array<i64: 4>, scalar_prefetch = 0 : i64, scratch_operands = 0 : i64, tpu.core_type = #tpu.core_type<tc>, window_params = [{transform_indices = @transform_0, window_bounds = array<i64: 2528, 128>}, {transform_indices = @transform_1, window_bounds = array<i64: 2, 2528, 128>}, {pipeline_mode = #tpu.pipeline_mode<synchronous>, transform_indices = @transform_2, window_bounds = array<i64: 256, 192>}, {pipeline_mode = #tpu.pipeline_mode<synchronous>, transform_indices = @transform_3, window_bounds = array<i64: 1, 192>}, {pipeline_mode = #tpu.pipeline_mode<synchronous>, transform_indices = @transform_4, window_bounds = array<i64: 192, 128>}, {pipeline_mode = #tpu.pipeline_mode<synchronous>, transform_indices = @transform_5, window_bounds = array<i64: 1, 128>}, {pipeline_mode = #tpu.pipeline_mode<synchronous>, transform_indices = @transform_6, window_bounds = array<i64: 128, 192>}, {pipeline_mode = #tpu.pipeline_mode<synchronous>, transform_indices = @transform_7, window_bounds = array<i64: 1, 192>}, {pipeline_mode = #tpu.pipeline_mode<synchronous>, transform_indices = @transform_8, window_bounds = array<i64: 192, 256>}, {pipeline_mode = #tpu.pipeline_mode<synchronous>, transform_indices = @transform_9, window_bounds = array<i64: 1, 256>}, {transform_indices = @transform_10, window_bounds = array<i64: 2528, 128>}, {transform_indices = @transform_11, window_bounds = array<i64: 2528, 256>}]} {
    %get3A = arith.constant 0 : index
    %get3A_0 = arith.constant 0 : index
    %get3A_1 = vector.load %arg1[%get3A, %get3A_0] : memref<2528x128xf32, #tpu.memory_space<vmem>>, vector<2528x128xf32>
    %get3A_2 = arith.constant 0 : index
    %get3A_3 = arith.constant 0 : index
    %get3A_4 = arith.constant 0 : index
    %get3A_5 = vector.load %arg2[%get3A_2, %get3A_3, %get3A_4] : memref<2x2528x128xf32, #tpu.memory_space<vmem>>, vector<1x2528x128xf32>
    %get3A_6 = vector.shape_cast %get3A_5 : vector<1x2528x128xf32> to vector<2528x128xf32>
    %get3A_7 = arith.constant 1 : index
    %get3A_8 = arith.constant 0 : index
    %get3A_9 = arith.constant 0 : index
    %get3A_10 = vector.load %arg2[%get3A_7, %get3A_8, %get3A_9] : memref<2x2528x128xf32, #tpu.memory_space<vmem>>, vector<1x2528x128xf32>
    %get3A_11 = vector.shape_cast %get3A_10 : vector<1x2528x128xf32> to vector<2528x128xf32>
    %add3A = arith.addf %get3A_6, %get3A_11 : vector<2528x128xf32>
    %slice3A = vector.extract_strided_slice %add3A {offsets = [0, 0], sizes = [2528, 1], strides = [1, 1]} : vector<2528x128xf32> to vector<2528x1xf32>
    %max3A = arith.constant 1.000000e+00 : f32
    %max3A_12 = vector.broadcast %max3A : f32 to vector<2528x1xf32>
    %max3A_13 = arith.maximumf %slice3A, %max3A_12 : vector<2528x1xf32>
    %div3A = vector.broadcast %max3A_13 : vector<2528x1xf32> to vector<2528x128xf32>
    %div3A_14 = arith.divf %add3A, %div3A : vector<2528x128xf32>
    %iota3A = tpu.iota {dimensions = array<i32: 1>} : vector<2528x128xi32>
    %eq3A = arith.constant 0 : i32
    %eq3A_15 = vector.broadcast %eq3A : i32 to vector<2528x128xi32>
    %eq3A_16 = arith.cmpi eq, %iota3A, %eq3A_15 : vector<2528x128xi32>
    %jit3A = arith.constant 0.000000e+00 : f32
    %broadcast_in_dim3A = vector.broadcast %jit3A : f32 to vector<2528x128xf32>
    %select_n3A = arith.select %eq3A_16, %broadcast_in_dim3A, %get3A_1 : vector<2528x128xi1>, vector<2528x128xf32>
    %eq3A_17 = arith.constant 0 : i32
    %eq3A_18 = vector.broadcast %eq3A_17 : i32 to vector<2528x128xi32>
    %eq3A_19 = arith.cmpi eq, %iota3A, %eq3A_18 : vector<2528x128xi32>
    %jit3A_20 = arith.constant 0.000000e+00 : f32
    %broadcast_in_dim3A_21 = vector.broadcast %jit3A_20 : f32 to vector<2528x128xf32>
    %select_n3A_22 = arith.select %eq3A_19, %broadcast_in_dim3A_21, %div3A_14 : vector<2528x128xi1>, vector<2528x128xf32>
    %get3A_23 = arith.constant 0 : index
    %get3A_24 = arith.constant 0 : index
    %get3A_25 = vector.load %arg3[%get3A_23, %get3A_24] : memref<256x192xf32, #tpu.memory_space<vmem>>, vector<256x192xf32>
    %slice3A_26 = vector.extract_strided_slice %get3A_25 {offsets = [0, 0], sizes = [128, 192], strides = [1, 1]} : vector<256x192xf32> to vector<128x192xf32>
    %dot_general3A = arith.constant dense<0.000000e+00> : vector<2528x192xf32>
    %dot_general3A_27 = tpu.matmul %select_n3A, %slice3A_26, %dot_general3A {dimension_numbers = #tpu.dot_dimension_numbers<[1], [0], [0], [1], [0, 0, 1, 1], [], []>, transpose_lhs_hint = false} : vector<2528x128xf32>, vector<128x192xf32>, vector<2528x192xf32> -> vector<2528x192xf32>
    %slice3A_28 = vector.extract_strided_slice %get3A_25 {offsets = [128, 0], sizes = [128, 192], strides = [1, 1]} : vector<256x192xf32> to vector<128x192xf32>
    %dot_general3A_29 = arith.constant dense<0.000000e+00> : vector<2528x192xf32>
    %dot_general3A_30 = tpu.matmul %select_n3A_22, %slice3A_28, %dot_general3A_29 {dimension_numbers = #tpu.dot_dimension_numbers<[1], [0], [0], [1], [0, 0, 1, 1], [], []>, transpose_lhs_hint = false} : vector<2528x128xf32>, vector<128x192xf32>, vector<2528x192xf32> -> vector<2528x192xf32>
    %add3A_31 = arith.addf %dot_general3A_27, %dot_general3A_30 : vector<2528x192xf32>
    %get3A_32 = arith.constant 0 : index
    %get3A_33 = arith.constant 0 : index
    %get3A_34 = vector.load %arg4[%get3A_32, %get3A_33] : memref<1x192xf32, #tpu.memory_space<vmem>>, vector<1x192xf32>
    %add3A_35 = vector.broadcast %get3A_34 : vector<1x192xf32> to vector<2528x192xf32>
    %add3A_36 = arith.addf %add3A_31, %add3A_35 : vector<2528x192xf32>
    %max3A_37 = arith.constant 0.000000e+00 : f32
    %max3A_38 = vector.broadcast %max3A_37 : f32 to vector<2528x192xf32>
    %max3A_39 = arith.maximumf %add3A_36, %max3A_38 : vector<2528x192xf32>
    %get3A_40 = arith.constant 0 : index
    %get3A_41 = arith.constant 0 : index
    %get3A_42 = vector.load %arg5[%get3A_40, %get3A_41] : memref<192x128xf32, #tpu.memory_space<vmem>>, vector<192x128xf32>
    %dot_general3A_43 = arith.constant dense<0.000000e+00> : vector<2528x128xf32>
    %dot_general3A_44 = tpu.matmul %max3A_39, %get3A_42, %dot_general3A_43 {dimension_numbers = #tpu.dot_dimension_numbers<[1], [0], [0], [1], [0, 0, 1, 1], [], []>, transpose_lhs_hint = false} : vector<2528x192xf32>, vector<192x128xf32>, vector<2528x128xf32> -> vector<2528x128xf32>
    %get3A_45 = arith.constant 0 : index
    %get3A_46 = arith.constant 0 : index
    %get3A_47 = vector.load %arg6[%get3A_45, %get3A_46] : memref<1x128xf32, #tpu.memory_space<vmem>>, vector<1x128xf32>
    %add3A_48 = vector.broadcast %get3A_47 : vector<1x128xf32> to vector<2528x128xf32>
    %add3A_49 = arith.addf %dot_general3A_44, %add3A_48 : vector<2528x128xf32>
    %swap3A = arith.constant 0 : index
    %swap3A_50 = arith.constant 0 : index
    %swap3A_51 = vector.load %arg11[%swap3A, %swap3A_50] : memref<2528x128xf32, #tpu.memory_space<vmem>>, vector<2528x128xf32>
    tpu.vector_store %arg11[%swap3A, %swap3A_50], %add3A_49 {strides = array<i32>} : memref<2528x128xf32, #tpu.memory_space<vmem>>, vector<2528x128xf32>,
    %get3A_52 = arith.constant 0 : index
    %get3A_53 = arith.constant 0 : index
    %get3A_54 = vector.load %arg7[%get3A_52, %get3A_53] : memref<128x192xf32, #tpu.memory_space<vmem>>, vector<128x192xf32>
    %dot_general3A_55 = arith.constant dense<0.000000e+00> : vector<2528x192xf32>
    %dot_general3A_56 = tpu.matmul %add3A_49, %get3A_54, %dot_general3A_55 {dimension_numbers = #tpu.dot_dimension_numbers<[1], [0], [0], [1], [0, 0, 1, 1], [], []>, transpose_lhs_hint = false} : vector<2528x128xf32>, vector<128x192xf32>, vector<2528x192xf32> -> vector<2528x192xf32>
    %get3A_57 = arith.constant 0 : index
    %get3A_58 = arith.constant 0 : index
    %get3A_59 = vector.load %arg8[%get3A_57, %get3A_58] : memref<1x192xf32, #tpu.memory_space<vmem>>, vector<1x192xf32>
    %add3A_60 = vector.broadcast %get3A_59 : vector<1x192xf32> to vector<2528x192xf32>
    %add3A_61 = arith.addf %dot_general3A_56, %add3A_60 : vector<2528x192xf32>
    %max3A_62 = arith.constant 0.000000e+00 : f32
    %max3A_63 = vector.broadcast %max3A_62 : f32 to vector<2528x192xf32>
    %max3A_64 = arith.maximumf %add3A_61, %max3A_63 : vector<2528x192xf32>
    %get3A_65 = arith.constant 0 : index
    %get3A_66 = arith.constant 0 : index
    %get3A_67 = vector.load %arg9[%get3A_65, %get3A_66] : memref<192x256xf32, #tpu.memory_space<vmem>>, vector<192x256xf32>
    %dot_general3A_68 = arith.constant dense<0.000000e+00> : vector<2528x256xf32>
    %dot_general3A_69 = tpu.matmul %max3A_64, %get3A_67, %dot_general3A_68 {dimension_numbers = #tpu.dot_dimension_numbers<[1], [0], [0], [1], [0, 0, 1, 1], [], []>, transpose_lhs_hint = false} : vector<2528x192xf32>, vector<192x256xf32>, vector<2528x256xf32> -> vector<2528x256xf32>
    %get3A_70 = arith.constant 0 : index
    %get3A_71 = arith.constant 0 : index
    %get3A_72 = vector.load %arg10[%get3A_70, %get3A_71] : memref<1x256xf32, #tpu.memory_space<vmem>>, vector<1x256xf32>
    %add3A_73 = vector.broadcast %get3A_72 : vector<1x256xf32> to vector<2528x256xf32>
    %add3A_74 = arith.addf %dot_general3A_69, %add3A_73 : vector<2528x256xf32>
    %swap3A_75 = arith.constant 0 : index
    %swap3A_76 = arith.constant 0 : index
    %swap3A_77 = vector.load %arg12[%swap3A_75, %swap3A_76] : memref<2528x256xf32, #tpu.memory_space<vmem>>, vector<2528x256xf32>
    tpu.vector_store %arg12[%swap3A_75, %swap3A_76], %add3A_74 {strides = array<i32>} : memref<2528x256xf32, #tpu.memory_space<vmem>>, vector<2528x256xf32>,
    return
  }
  func.func @transform_0(%arg0: i32) -> (i32, i32) {
    %c0_i32 = arith.constant 0 : i32
    %c0_i32_0 = arith.constant 0 : i32
    return %arg0, %c0_i32 : i32, i32
  }
  func.func @transform_1(%arg0: i32) -> (i32, i32, i32) {
    %c0_i32 = arith.constant 0 : i32
    %c0_i32_0 = arith.constant 0 : i32
    %c0_i32_1 = arith.constant 0 : i32
    return %c0_i32, %arg0, %c0_i32_0 : i32, i32, i32
  }
  func.func @transform_2(%arg0: i32) -> (i32, i32) {
    %c0_i32 = arith.constant 0 : i32
    %c0_i32_0 = arith.constant 0 : i32
    %c0_i32_1 = arith.constant 0 : i32
    return %c0_i32, %c0_i32_0 : i32, i32
  }
  func.func @transform_3(%arg0: i32) -> (i32, i32) {
    %c0_i32 = arith.constant 0 : i32
    %c0_i32_0 = arith.constant 0 : i32
    %c0_i32_1 = arith.constant 0 : i32
    return %c0_i32, %c0_i32_0 : i32, i32
  }
  func.func @transform_4(%arg0: i32) -> (i32, i32) {
    %c0_i32 = arith.constant 0 : i32
    %c0_i32_0 = arith.constant 0 : i32
    %c0_i32_1 = arith.constant 0 : i32
    return %c0_i32, %c0_i32_0 : i32, i32
  }
  func.func @transform_5(%arg0: i32) -> (i32, i32) {
    %c0_i32 = arith.constant 0 : i32
    %c0_i32_0 = arith.constant 0 : i32
    %c0_i32_1 = arith.constant 0 : i32
    return %c0_i32, %c0_i32_0 : i32, i32
  }
  func.func @transform_6(%arg0: i32) -> (i32, i32) {
    %c0_i32 = arith.constant 0 : i32
    %c0_i32_0 = arith.constant 0 : i32
    %c0_i32_1 = arith.constant 0 : i32
    return %c0_i32, %c0_i32_0 : i32, i32
  }
  func.func @transform_7(%arg0: i32) -> (i32, i32) {
    %c0_i32 = arith.constant 0 : i32
    %c0_i32_0 = arith.constant 0 : i32
    %c0_i32_1 = arith.constant 0 : i32
    return %c0_i32, %c0_i32_0 : i32, i32
  }
  func.func @transform_8(%arg0: i32) -> (i32, i32) {
    %c0_i32 = arith.constant 0 : i32
    %c0_i32_0 = arith.constant 0 : i32
    %c0_i32_1 = arith.constant 0 : i32
    return %c0_i32, %c0_i32_0 : i32, i32
  }
  func.func @transform_9(%arg0: i32) -> (i32, i32) {
    %c0_i32 = arith.constant 0 : i32
    %c0_i32_0 = arith.constant 0 : i32
    %c0_i32_1 = arith.constant 0 : i32
    return %c0_i32, %c0_i32_0 : i32, i32
  }
  func.func @transform_10(%arg0: i32) -> (i32, i32) {
    %c0_i32 = arith.constant 0 : i32
    %c0_i32_0 = arith.constant 0 : i32
    return %arg0, %c0_i32 : i32, i32
  }
  func.func @transform_11(%arg0: i32) -> (i32, i32) {
    %c0_i32 = arith.constant 0 : i32
    %c0_i32_0 = arith.constant 0 : i32
    return %arg0, %c0_i32 : i32, i32
  }
}

</mosaic_0001>

<sc_bundles>
// kernel: kernel.4.cloned.1.call-start
scs
__scs_entry_jumppad:
0x0: {  	(pc) =	sbr.rel $0x88, $3  }
0x1: {  	(tag) =	ssettag $0x0;
	lr =	simm.s32 $0x1  }
0x2: {  	[smem:$0x3F97] =	sst lr;
	_ =	strace $0xD0000000  }
0x3: {  	_ = 	snop  }
0x4: {  	_ = 	snop  }
0x5: {  	_ = 	snop  }
0x6: {  	_ = 	snop  }
0x7: {  	_ = 	snop  }
__scs_overlays_trampoline_lowered:
0x8: {  	[smem:$0x3FA6] =	sst s0  }
0x9: {  	[smem:$0x3FA7] =	sst s1  }
0xa: {  	[smem:$0x3FA8] =	sst s2  }
0xb: {  	[smem:$0x3FA9] =	sst s3  }
0xc: {  	[smem:$0x3FAA] =	sst s4  }
0xd: {  	[smem:$0x3FAB] =	sst s5  }
0xe: {  	[smem:$0x3FAC] =	sst s6  }
0xf: {  	[smem:$0x3FAD] =	sst s7  }
0x10: {  	[smem:$0x3FAE] =	sst s8  }
0x11: {  	[smem:$0x3FAF] =	sst s9;
	s0 =	simm.s32 @!p0 $0x0  }
0x12: {  	s1 =	sld [smem:$0x3F95];
	s0 =	simm.s32 @p0 $0x1  }
0x13: {  	[smem:$0x3FB0] =	sst s0;
	s0 =	simm.s32 @!p1 $0x0  }
0x14: {  	s2 =	sld [smem:$0x3F94];
	s0 =	simm.s32 @p1 $0x1  }
0x15: {  	[smem:$0x3FB1] =	sst s0;
	s0 =	simm.s32 @!p2 $0x0  }
0x16: {  	s3 =	sld [smem:$0x3FDB];
	s0 =	simm.s32 @p2 $0x1  }
0x17: {  	s4 =	simm.s32 $0x1BF5;
	[smem:$0x3FB3] =	sst s0  }
0x18: {  	s0 =	sld [smem:$0x3F96];
	_ =	swait.ge [sflag:s4], $0x0  }
0x19: {  	s7 =	sld [smem:$0x3F97]  }
0x1a: {  	s8 =	sadd.s32 $0xFFFFE003, lr  }
0x1b: {  	s9 =	sadd.s32 $0xFFFFFEF7, lr;
	s5 =	simm.s32 $0xFFFFFFFF;
	p2 =	slt.u32 s8, $0xFFFFF086  }
0x1c: {  	p1 =	slt.u32 s9, $0xF7A;
	s5 =	simm.s32 @!p2 $0x0  }
0x1d: {  	s5 =	simm.s32 @p1 $0x1;
	p0 =	seq.s32 s7, s2  }
0x1e: {  	s7 =	smul.u32 @!p0 $0xF7A, s2;
	p2 =	seq.s32 @!p0 s5, $0x0  }
0x1f: {  	s9 =	smul.u32 $0xF7A, s1;
	s8 =	simm.s32 @!p0 $0x1BF5;
	p2 =	por !p2, p0  }
0x20: {  	[sflag:s8] =	ssyncset.s32 @!p0 $0xFFFFF086;
	s6 =	sadd.s32 @!p0 s3, s7;
	s7 =	simm.s32 @!p0 $0x108  }
0x21: {  	s3 =	sadd.s32 s3, s9;
	s6 =	sadd.s32 @!p0 $0x88, s6;
	s7 =	simm.s32 @p2 $0x1082  }
0x22: {  	[simem:s7], [sflag:s8] =	dma.local @!p0 [hbm:s6], $0xF7A  }
0x23: {  	s9 =	sor.u32 $0xD0000000, s2;
	s6 =	simm.s32 $0x108;
	_ =	swait.ge @!p0 [sflag:s8], $0x0  }
0x24: {  	s3 =	sadd.s32 $0x88, s3;
	s6 =	simm.s32 @!p1 $0x1082;
	[sflag:s4] =	ssyncset.s32 $0xFFFFF086  }
0x25: {  	[simem:s6], [sflag:s4] =	dma.local [hbm:s3], $0xF7A  }
0x26: {  	[smem:$0x3F97] =	sst s1;
	(tag) =	ssettag s2;
	_ =	strace s9  }
0x27: {  	s1 =	sld [smem:$0x3FA7]  }
0x28: {  	s2 =	sld [smem:$0x3FA8]  }
0x29: {  	s4 =	sld [smem:$0x3FAA]  }
0x2a: {  	p0 =	seq.s32 s5, $0x0;
	s5 =	sld [smem:$0x3FAB]  }
0x2b: {  	s6 =	sld [smem:$0x3FAC]  }
0x2c: {  	s7 =	sld [smem:$0x3FAD]  }
0x2d: {  	s3 =	simm.s32 $0x108;
	s8 =	sld [smem:$0x3FAE]  }
0x2e: {  	s3 =	simm.s32 @!p0 $0x1082;
	s9 =	sld [smem:$0x3FAF]  }
0x2f: {  	lr =	sadd.s32 s0, s3;
	s0 =	sld [smem:$0x3FA6]  }
0x30: {  	s3 =	sld [smem:$0x3FA9]  }
0x31: {  	[smem:$0x3FB2] =	sst s10  }
0x32: {  	s10 =	sld [smem:$0x3FB0];
	_ =	sdelay $0x3  }
0x33: {  	p0 =	seq.s32 s10, $0x1;
	s10 =	sld [smem:$0x3FB2];
	_ =	sdelay $0x3  }
0x34: {  	[smem:$0x3FB2] =	sst s10  }
0x35: {  	s10 =	sld [smem:$0x3FB1];
	_ =	sdelay $0x3  }
0x36: {  	p1 =	seq.s32 s10, $0x1;
	s10 =	sld [smem:$0x3FB2];
	_ =	sdelay $0x3  }
0x37: {  	[smem:$0x3FB2] =	sst s10  }
0x38: {  	s10 =	sld [smem:$0x3FB3]  }
0x39: {  	_ = 	snop;
	(pc) =	sbr.ind lr, $3  }
0x3a: {  	_ = 	snop  }
0x3b: {  	_ = 	snop  }
0x3c: {  	p2 =	seq.s32 s10, $0x1;
	s10 =	sld [smem:$0x3FB2]  }
0x3d: {  	_ =	shalt  }
0x3e: {  	_ =	shalt  }
0x3f: {  	_ =	shalt  }
0x40: {  	_ =	shalt  }
0x41: {  	_ =	shalt  }
0x42: {  	_ =	shalt  }
0x43: {  	_ =	shalt  }
0x44: {  	_ =	shalt  }
0x45: {  	_ =	shalt  }
0x46: {  	_ =	shalt  }
0x47: {  	_ =	shalt  }
0x48: {  	_ =	shalt  }
0x49: {  	_ =	shalt  }
0x4a: {  	_ =	shalt  }
0x4b: {  	_ =	shalt  }
0x4c: {  	_ =	shalt  }
0x4d: {  	_ =	shalt  }
0x4e: {  	_ =	shalt  }
0x4f: {  	_ =	shalt  }
0x50: {  	_ =	shalt  }
0x51: {  	_ =	shalt  }
0x52: {  	_ =	shalt  }
0x53: {  	_ =	shalt  }
0x54: {  	_ =	shalt  }
0x55: {  	_ =	shalt  }
0x56: {  	_ =	shalt  }
0x57: {  	_ =	shalt  }
0x58: {  	_ =	shalt  }
0x59: {  	_ =	shalt  }
0x5a: {  	_ =	shalt  }
0x5b: {  	_ =	shalt  }
0x5c: {  	_ =	shalt  }
0x5d: {  	_ =	shalt  }
0x5e: {  	_ =	shalt  }
0x5f: {  	_ =	shalt  }
0x60: {  	_ =	shalt  }
0x61: {  	_ =	shalt  }
0x62: {  	_ =	shalt  }
0x63: {  	_ =	shalt  }
0x64: {  	_ =	shalt  }
0x65: {  	_ =	shalt  }
0x66: {  	_ =	shalt  }
0x67: {  	_ =	shalt  }
0x68: {  	_ =	shalt  }
0x69: {  	_ =	shalt  }
0x6a: {  	_ =	shalt  }
0x6b: {  	_ =	shalt  }
0x6c: {  	_ =	shalt  }
0x6d: {  	_ =	shalt  }
0x6e: {  	_ =	shalt  }
0x6f: {  	_ =	shalt  }
0x70: {  	_ =	shalt  }
0x71: {  	_ =	shalt  }
0x72: {  	_ =	shalt  }
0x73: {  	_ =	shalt  }
0x74: {  	_ =	shalt  }
0x75: {  	_ =	shalt  }
0x76: {  	_ =	shalt  }
0x77: {  	_ =	shalt  }
0x78: {  	_ =	shalt  }
0x79: {  	_ =	shalt  }
0x7a: {  	_ =	shalt  }
0x7b: {  	_ =	shalt  }
0x7c: {  	_ =	shalt  }
0x7d: {  	_ =	shalt  }
0x7e: {  	_ =	shalt  }
0x7f: {  	_ =	shalt  }
0x80: {  	_ =	shalt  }
0x81: {  	_ =	shalt  }
0x82: {  	_ =	shalt  }
0x83: {  	_ =	shalt  }
0x84: {  	_ =	shalt  }
0x85: {  	_ =	shalt  }
0x86: {  	_ =	shalt  }
0x87: {  	_ =	shalt  }
.Lfunc_end0:
.L_simem_size_0:
called_computation_lowered:
.L_overlay_start_0:
0x88: {  	s2 =	sld [smem:$0x3FD9]  }
0x89: {  	s3 =	sld [smem:$0x3FFE];
	_ =	sdelay $0x1  }
0x8a: {  	s1 =	srdreg.scid  }
0x8b: {  	s0 =	sand.u32 $0x1, s1  }
0x8c: {  	s14 =	sshll.u32 s0, $0xA;
	s2 =	sadd.s32 s3, s2  }
0x8d: {  	s2 =	sadd.s32 s2, s14  }
0x8e: {  	[smem:$0x3FBE] =	sst s2  }
0x8f: {  	_ = 	snop  }
0x90: {  	s2 =	sld [smem:$0x3FD0];
	_ =	sdelay $0x2  }
0x91: {  	s4 =	simm.s32 $0xA;
	s5 =	simm.s32 $0x10;
	s15 =	sld [smem:$0x3FC9]  }
0x92: {  	[smem:s5], [sflag:s4] =	dma.local [hbm:s2], $0x1  }
0x93: {  	_ =	swait.eq [sflag:s4], $0x1  }
0x94: {  	[sflag:s4] =	ssyncset.done $0x0  }
0x95: {  	[sflag:s4] =	ssyncadd.s32 $0xFFFFFFFF  }
0x96: {  	s16 =	sld [smem:$0x10];
	(tm) =	ssettm $0x1  }
0x97: {  	s17 =	sld [smem:$0x3FFB];
	_ =	sdelay $0x3  }
0x98: {  	_ =	strace s17  }
0x99: {  	s4 =	sld [smem:$0x3FFC];
	_ =	sdelay $0x3  }
0x9a: {  	_ =	strace s4  }
0x9b: {  	s4 =	sld [smem:$0x3FFD];
	_ =	sdelay $0x3  }
0x9c: {  	_ =	strace s4  }
0x9d: {  	_ =	strace $0x8FFFFFFF  }
0x9e: {  	s18 =	sld [smem:$0x3FDB];
	_ =	sdelay $0x1  }
0x9f: {  	s19 =	simm.s32 $_scs_section_size  }
0xa0: {  	s6 =	simm.s32 $_size__tile_overlayer_lowered;
	s7 =	simm.s32 $_tile_overlayer_lowered  }
0xa1: {  	s22 =	simm.s32 $0x1BFF;
	s21 =	sshll.u32 s7, $0x1;
	s4 =	sadd.s32 s19, s18  }
0xa2: {  	s8 =	simm.s32 $0x0;
	s20 =	sshll.u32 s6, $0x1;
	s6 =	sadd.s32 s21, s4  }
0xa3: {  	[timem:s8], [sflag:s22] =	dma.local [hbm:s6], s20  }
0xa4: {  	_ =	swait.ge [sflag:s22], s20  }
0xa5: {  	s5 =	ssub.s32 $0x0, s20;
	[sflag:s22] =	ssyncset.done $0x0  }
0xa6: {  	[sflag:s22] =	ssyncadd.s32 s5;
	_ =	sdelay $0x1  }
0xa7: {  	s23 =	simm.s32 $0x1B8B  }
0xa8: {  	_ =	swait.ge [sflag:s23], $0x1  }
0xa9: {  	[sflag:s23] =	ssyncset.done $0x0  }
0xaa: {  	s25 =	simm.s32 $0x1B8E;
	s24 =	sld [smem:$0x3FFE];
	[sflag:s23] =	ssyncadd.s32 $0xFFFFFFFF  }
0xab: {  	s26 =	simm.s32 $execute0_lowered;
	[smem:$0x3FD2] =	sst s25  }
0xac: {  	s6 =	sshll.u32 s26, $0x1;
	_ =	strace $0x80000046;
	[dreg:$0x1] =	wrdreg $0xFFFFFFFF  }
0xad: {  	s28 =	simm.s32 $_size_execute0_lowered;
	s4 =	sadd.s32 s4, s6;
	[dreg:$0x0] =	wrdreg $0x0  }
0xae: {  	s6 =	sshll.u32 s28, $0x1;
	[dreg:$0x2] =	wrdreg s4  }
0xaf: {  	[dreg:$0x3] =	wrdreg s6  }
0xb0: {  	[dreg:$0x4] =	wrdreg $0xC0  }
0xb1: {  	_ =	task [dreg:s8], $0x5FFFF  }
0xb2: {  	[dreg:$0x1] =	wrdreg $0xFFFFFFFF  }
0xb3: {  	[dreg:$0x0] =	wrdreg $0x60  }
0xb4: {  	[dreg:$0x2] =	wrdreg s15  }
0xb5: {  	[dreg:$0x3] =	wrdreg s16  }
0xb6: {  	[dreg:$0x4] =	wrdreg s24  }
0xb7: {  	[dreg:$0x5] =	wrdreg $0x9EC00  }
0xb8: {  	[dreg:$0x6] =	wrdreg $0x9  }
0xb9: {  	_ =	task.clear_ibuf [dreg:s8], $0x7FFFF;
	_ =	strace $0x90000046  }
0xba: {  	s29 =	simm.s32 $0x9;
	_ =	strace $0x80000048  }
0xbb: {  	_ =	swait.ge [sflag:s29], $0x1  }
0xbc: {  	[sflag:s29] =	ssyncadd.s32 $0xFFFFFFFF  }
0xbd: {  	_ =	strace $0x90000048  }
0xbe: {  	_ =	sfence  }
0xbf: {  	s30 =	sld [smem:$0x0];
	_ =	sdelay $0x2  }
0xc0: {  	s31 =	sshll.u32 s1, $0xD;
	s1 =	sshrl.u32 s1, $0x2  }
0xc1: {  	s3 =	sand.u32 $0x4000, s31;
	s1 =	sadd.s32 s1, s30  }
0xc2: {  	s0 =	sor.u32 s3, s0;
	s1 =	sshll.u32 s1, $0x11  }
0xc3: {  	s0 =	sor.u32 s1, s0  }
0xc4: {  	s0 =	sadd.s32 $0x8F2B, s0  }
0xc5: {  	[sflag:s0] =	ssyncadd.remote.s32 $0x1  }
0xc6: {  	_ =	sfence.sel $0xFFFF  }
0xc7: {  	[dreg:$0x0] =	wrdreg $0xFFFFFFFF;
	(pc) =	sbr.abs _section_cstart, $3  }
0xc8: {  	[dreg:$0x1] =	wrdreg $0xFFFFFFFF  }
0xc9: {  	_ =	task.clear_ibuf [dreg:s8], $0x2FFFF;
	_ =	strace $0x9FFFFFFF  }
0xca: {  	(tm) =	ssettm $0x7FFFFFFF  }
0xcb: {  	_ =	shalt  }
tec
execute0_lowered:
.L_overlay_start_1:
0x0: {  	(tag) =	ssettag $0x1  }
0x1: {  	s1 =	rddreg [dreg:$0x0]  }
0x2: {  	s14 =	rddreg [dreg:$0x1]  }
0x3: {  	s5 =	rddreg [dreg:$0x2]  }
0x4: {  	s2 =	srdreg.scid;
	s0 =	stileid.u32  }
0x5: {  	s3 =	rddreg [dreg:$0x3];
	s4 =	simm.s32 $0x0;
	s19 =	simm.s32 $0x4EC0  }
0x6: {  	s20 =	simm.s32 $0x3;
	s21 =	simm.s32 $0x2760;
	s6 =	smul.u32 $0x13C00, s0  }
0x7: {  	s22 =	simm.s32 $0x50;
	s23 =	simm.s32 $0x76C0;
	s8 =	smul.u32 $0x4F000, s0  }
0x8: {  	s24 =	simm.s32 $0x1;
	s25 =	simm.s32 $0x2;
	s15 =	smul.u32 $0x2760, s0  }
0x9: {  	s13 =	sand.u32 $0x1, s2;
	s2 =	rddreg [dreg:$0x4];
	s16 =	smul.u32 $0x26C0, s0  }
0xa: {  	[smem:$0x7FF] =	sst s4;
	s7 =	smul.u32 $0x13C000, s13;
	s9 =	ssub.s32 $0x2, s13  }
0xb: {  	_ =	strace $0x80000047;
	p0 =	seq.s32 s13, $0x1;
	s10 =	sshrl.u32 s9, $0x1  }
0xc: {  	s8 =	sshrl.u32 s8, $0x2;
	s15 =	sshrl.u32 s15, $0x3;
	s16 =	sshrl.u32 s16, $0x3  }
0xd: {  	s7 =	sadd.s32 s6, s7;
	s18 =	ssub.s32 s9, s10;
	s12 =	sadd.s32 s8, s3  }
0xe: {  	s13 =	sadd.s32 s14, s15;
	s16 =	sadd.s32 s14, s16;
	s7 =	sshrl.u32 s7, $0x3  }
.Ltmp0:
0xf: {  	v0 =	vlaneseq.u32;
	s8 =	sadd.s32 $0x7800, s12;
	s9 =	sadd.s32 $0xA000, s12;
	(pc) =	sbr.rel .LBB2_1-.Ltmp0, $4  }
0x10: {  	v0 =	vmul.u32 $0x80, v0;
	s10 =	sadd.s32 $0xC800, s12;
	s11 =	sadd.s32 $0xF000, s12;
	s14 =	sadd.s32 $0x9C40, s13  }
0x11: {  	s15 =	sadd.s32 $0x4EC0, s16;
	s16 =	sadd.s32 $0xEB00, s16;
	s18 =	smax.u32 s18, $0x1  }
0x12: {  	v1 =	vimm.f32 $0.0e+00;
	v2 =	vimm.f32 $1.000000000e+00;
	v3 =	vor.u32 $0x800, v0;
	s17 =	sadd.s32 s7, s5;
	s5 =	sadd.s32 s6, s3;
	s6 =	sadd.s32 $0x2800, s12  }
0x13: {  	v4 =	vor.u32 $0x1000, v0;
	v5 =	vor.u32 $0x1800, v0;
	v6 =	vor.u32 $0x2000, v0;
	s7 =	sadd.s32 $0x5000, s12;
	s12 =	sadd.s32 $0x11800, s12;
	s17 =	sadd.s32 $0x1E00, s17  }
.LBB2_7:
0x14: {  	s28 =	sadd.s32 $0x50, s26;
	[sflag:s20] =	ssyncadd.s32 @p1 $0xFFFFD800  }
0x15: {  	[tilespmem:s23], [sflag:$0x2] =	stream.indirect.gather [hbm4b:s1+s22], $0x80, s28, s22, $0xb8;
	[tilespmem:$0x1DAC0] =	vst v63  }
0x16: {  	_ =	swait.ge [sflag:s24], $0x2800  }
0x17: {  	[sflag:s24] =	ssyncset.done $0x0  }
0x18: {  	[sflag:s24] =	ssyncadd.s32 $0xFFFFD800  }
0x19: {  	[tilespmem:v0+s19+$0x0] =	vst.idx.msk $0xffff, v2  }
0x1a: {  	[tilespmem:v3+s19+$0x0] =	vst.idx.msk $0xffff, v2  }
0x1b: {  	[tilespmem:v4+s19+$0x0] =	vst.idx.msk $0xffff, v2  }
0x1c: {  	[tilespmem:v5+s19+$0x0] =	vst.idx.msk $0xffff, v2  }
0x1d: {  	s28 =	sadd.s32 $0x2760, s26;
	[tilespmem:v6+s19+$0x0] =	vst.idx.msk $0xffff, v2  }
0x1e: {  	[spmem:s3] =	stream.indirect.scatter.add.f32 [tilespmem:s19], [sflag:$0x3], $0x80, s28, s22, $0xb8;
	[tilespmem:$0x1DAC0] =	vst v63  }
0x1f: {  	_ =	swait.ge [sflag:s20], $0x2800  }
0x20: {  	[sflag:s20] =	ssyncset.done $0x0  }
0x21: {  	s28 =	sadd.s32 $0xA0, s26;
	[sflag:s20] =	ssyncadd.s32 $0xFFFFD800  }
0x22: {  	[tilespmem:s19], [sflag:$0x1] =	stream.indirect.gather [hbm4b:s1+s22], $0x80, s28, s22, $0xb8;
	[tilespmem:$0x1DAC0] =	vst v63  }
0x23: {  	_ =	swait.ge [sflag:s25], $0x2800  }
0x24: {  	[sflag:s25] =	ssyncset.done $0x0  }
0x25: {  	[sflag:s25] =	ssyncadd.s32 $0xFFFFD800  }
0x26: {  	[tilespmem:v0+s23+$0x0] =	vst.idx.msk $0xffff, v2  }
0x27: {  	[tilespmem:v3+s23+$0x0] =	vst.idx.msk $0xffff, v2  }
0x28: {  	[tilespmem:v4+s23+$0x0] =	vst.idx.msk $0xffff, v2  }
0x29: {  	[tilespmem:v5+s23+$0x0] =	vst.idx.msk $0xffff, v2  }
0x2a: {  	s31 =	sadd.s32 $0x27B0, s26;
	[tilespmem:v6+s23+$0x0] =	vst.idx.msk $0xffff, v2  }
0x2b: {  	[spmem:s3] =	stream.indirect.scatter.add.f32 [tilespmem:s23], [sflag:$0x3], $0x80, s31, s22, $0xb8;
	[tilespmem:$0x1DAC0] =	vst v63  }
0x2c: {  	_ =	swait.ge [sflag:s20], $0x2800  }
0x2d: {  	s29 =	simm.s32 $0x2710;
	[sflag:s20] =	ssyncset.done $0x0  }
0x2e: {  	s26 =	simm.s32 $0x4E70;
	s28 =	simm.s32 $0x4E20;
	[sflag:s20] =	ssyncadd.s32 $0xFFFFD800  }
.LBB2_11:
0x2f: {  	[tilespmem:s23], [sflag:$0x2] =	stream.indirect.gather [hbm4b:s1+s22], $0x80, s29, s22, $0xb8;
	[tilespmem:$0x1DAC0] =	vst v63  }
0x30: {  	_ =	swait.ge [sflag:s24], $0x2800  }
0x31: {  	[sflag:s24] =	ssyncset.done $0x0  }
0x32: {  	[sflag:s24] =	ssyncadd.s32 $0xFFFFD800  }
0x33: {  	[tilespmem:v0+s19+$0x0] =	vst.idx.msk $0xffff, v2  }
0x34: {  	[tilespmem:v3+s19+$0x0] =	vst.idx.msk $0xffff, v2  }
0x35: {  	[tilespmem:v4+s19+$0x0] =	vst.idx.msk $0xffff, v2  }
0x36: {  	[tilespmem:v5+s19+$0x0] =	vst.idx.msk $0xffff, v2  }
0x37: {  	[tilespmem:v6+s19+$0x0] =	vst.idx.msk $0xffff, v2  }
0x38: {  	[spmem:s3] =	stream.indirect.scatter.add.f32 [tilespmem:s19], [sflag:$0x3], $0x80, s28, s22, $0xb8;
	[tilespmem:$0x1DAC0] =	vst v63  }
0x39: {  	_ =	swait.ge [sflag:s20], $0x2800  }
0x3a: {  	[sflag:s20] =	ssyncset.done $0x0  }
0x3b: {  	[sflag:s20] =	ssyncadd.s32 $0xFFFFD800  }
0x3c: {  	_ =	swait.ge [sflag:s25], $0x2800  }
0x3d: {  	[sflag:s25] =	ssyncset.done $0x0  }
0x3e: {  	[sflag:s25] =	ssyncadd.s32 $0xFFFFD800  }
0x3f: {  	[tilespmem:v0+s23+$0x0] =	vst.idx.msk $0xffff, v2  }
0x40: {  	[tilespmem:v3+s23+$0x0] =	vst.idx.msk $0xffff, v2  }
0x41: {  	[tilespmem:v4+s23+$0x0] =	vst.idx.msk $0xffff, v2  }
0x42: {  	[tilespmem:v5+s23+$0x0] =	vst.idx.msk $0xffff, v2  }
0x43: {  	[tilespmem:v6+s23+$0x0] =	vst.idx.msk $0xffff, v2  }
0x44: {  	[spmem:s3] =	stream.indirect.scatter.add.f32 [tilespmem:s23], [sflag:$0x3], $0x80, s26, s22, $0xb8;
	[tilespmem:$0x1DAC0] =	vst v63  }
0x45: {  	_ =	swait.ge [sflag:s20], $0x2800  }
0x46: {  	s30 =	sshll.u32 s0, $0x6;
	s4 =	sadd.s32 $0x1, s4;
	[sflag:s20] =	ssyncset.done $0x0  }
0x47: {  	s31 =	sshrl.u32 s5, $0x3;
	p1 =	sne.s32 s4, s18;
	[sflag:s20] =	ssyncadd.s32 $0xFFFFD800  }
.Ltmp1:
0x48: {  	s26 =	sor.u32 $0x1C03, s30;
	[bflag:$0x0] =	sbarrier.arrive $0xFFFF;
	(pc) =	sbr.rel @!p1 .LBB2_12-.Ltmp1, $4  }
0x49: {  	[hbm:s17], [sflag:s26] =	dma.local [spmem:s31], $0x2780  }
0x4a: {  	_ =	swait.ge [sflag:s20], $0x2780  }
0x4b: {  	[sflag:s20] =	ssyncset.done $0x0  }
0x4c: {  	[sflag:s20] =	ssyncadd.s32 $0xFFFFD880  }
.LBB2_1:
0x4d: {  	s26 =	simm.s32 $0x0;
	s28 =	simm.s32 $0x200  }
.LBB2_2:
0x4e: {  	p1 =	sne.s32 s28, $0x9E00;
	[tilespmem:s26+$0x4F30] =	vst v1  }
0x4f: {  	[tilespmem:s26+$0x4EC0] =	vst v1  }
0x50: {  	[tilespmem:s26+$0x4ED0] =	vst v1  }
.Ltmp2:
0x51: {  	[tilespmem:s26+$0x4EE0] =	vst v1;
	(pc) =	sbr.rel @p1 .LBB2_2-.Ltmp2, $4  }
0x52: {  	[tilespmem:s26+$0x4EF0] =	vst v1  }
0x53: {  	[tilespmem:s26+$0x4F00] =	vst v1  }
0x54: {  	[tilespmem:s26+$0x4F10] =	vst v1  }
0x55: {  	[tilespmem:s26+$0x4F20] =	vst v1;
	s26 =	sshra.s32 s28, $0x2;
	s28 =	sadd.s32 $0x200, s28  }
0x56: {  	[tilespmem:s26+$0x4F30] =	vst v1  }
0x57: {  	[tilespmem:s26+$0x4EC0] =	vst v1  }
0x58: {  	[tilespmem:s26+$0x4ED0] =	vst v1  }
0x59: {  	[tilespmem:s26+$0x4EE0] =	vst v1  }
0x5a: {  	[tilespmem:s26+$0x4EF0] =	vst v1  }
0x5b: {  	[tilespmem:s26+$0x4F00] =	vst v1  }
0x5c: {  	[tilespmem:s26+$0x4F10] =	vst v1  }
0x5d: {  	[tilespmem:s26+$0x4F20] =	vst v1  }
0x5e: {  	[spmem:s5] =	stream.linear.scatter [tilespmem:s19], [sflag:$0x3], $0x2800, $0x38;
	[tilespmem:$0x1DAC0] =	vst v63  }
0x5f: {  	_ =	swait.ge [sflag:s20], $0x2800  }
0x60: {  	[sflag:s20] =	ssyncset.done $0x0  }
0x61: {  	[sflag:s20] =	ssyncadd.s32 $0xFFFFD800  }
0x62: {  	[spmem:s6] =	stream.linear.scatter [tilespmem:s19], [sflag:$0x3], $0x2800, $0x38;
	[tilespmem:$0x1DAC0] =	vst v63  }
0x63: {  	_ =	swait.ge [sflag:s20], $0x2800  }
0x64: {  	[sflag:s20] =	ssyncset.done $0x0  }
0x65: {  	[sflag:s20] =	ssyncadd.s32 $0xFFFFD800  }
0x66: {  	[spmem:s7] =	stream.linear.scatter [tilespmem:s19], [sflag:$0x3], $0x2800, $0x38;
	[tilespmem:$0x1DAC0] =	vst v63  }
0x67: {  	_ =	swait.ge [sflag:s20], $0x2800  }
0x68: {  	[sflag:s20] =	ssyncset.done $0x0  }
0x69: {  	[sflag:s20] =	ssyncadd.s32 $0xFFFFD800  }
0x6a: {  	[spmem:s8] =	stream.linear.scatter [tilespmem:s19], [sflag:$0x3], $0x2800, $0x38;
	[tilespmem:$0x1DAC0] =	vst v63  }
0x6b: {  	_ =	swait.ge [sflag:s20], $0x2800  }
0x6c: {  	[sflag:s20] =	ssyncset.done $0x0  }
0x6d: {  	[sflag:s20] =	ssyncadd.s32 $0xFFFFD800  }
0x6e: {  	[spmem:s9] =	stream.linear.scatter [tilespmem:s19], [sflag:$0x3], $0x2800, $0x38;
	[tilespmem:$0x1DAC0] =	vst v63  }
0x6f: {  	_ =	swait.ge [sflag:s20], $0x2800  }
0x70: {  	[sflag:s20] =	ssyncset.done $0x0  }
0x71: {  	[sflag:s20] =	ssyncadd.s32 $0xFFFFD800  }
0x72: {  	[spmem:s10] =	stream.linear.scatter [tilespmem:s19], [sflag:$0x3], $0x2800, $0x38;
	[tilespmem:$0x1DAC0] =	vst v63  }
0x73: {  	_ =	swait.ge [sflag:s20], $0x2800  }
0x74: {  	[sflag:s20] =	ssyncset.done $0x0  }
0x75: {  	[sflag:s20] =	ssyncadd.s32 $0xFFFFD800  }
0x76: {  	[spmem:s11] =	stream.linear.scatter [tilespmem:s19], [sflag:$0x3], $0x2800, $0x38;
	[tilespmem:$0x1DAC0] =	vst v63  }
0x77: {  	_ =	swait.ge [sflag:s20], $0x2800  }
0x78: {  	[sflag:s20] =	ssyncset.done $0x0  }
.Ltmp3:
0x79: {  	[sflag:s20] =	ssyncadd.s32 $0xFFFFD800;
	(pc) =	sbr.rel @!p0 .LBB2_4-.Ltmp3, $4  }
0x7a: {  	[spmem:s12] =	stream.linear.scatter [tilespmem:s19], [sflag:$0x3], $0x2400, $0x38;
	[tilespmem:$0x1DAC0] =	vst v63  }
0x7b: {  	_ =	swait.ge [sflag:s20], $0x2400  }
0x7c: {  	[sflag:s20] =	ssyncset.done $0x0  }
0x7d: {  	s26 =	simm.s32 $0x0;
	[sflag:s20] =	ssyncadd.s32 $0xFFFFDC00  }
0x7e: {  	[tilespmem:s26], [sflag:$0x3] =	stream.linear.gather [hbm4b:s15+s26], $0x26C0, $0x38;
	[tilespmem:$0x1DAC0] =	vst v63  }
0x7f: {  	_ =	swait.ge [sflag:s20], $0x26C0  }
0x80: {  	[sflag:s20] =	ssyncset.done $0x0  }
0x81: {  	[sflag:s20] =	ssyncadd.s32 $0xFFFFD940  }
0x82: {  	[tilespmem:s21], [sflag:$0x3] =	stream.linear.gather [hbm4b:s16+s26], $0x26C0, $0x38;
	[tilespmem:$0x1DAC0] =	vst v63  }
0x83: {  	_ =	swait.ge [sflag:s20], $0x26C0  }
0x84: {  	[sflag:s20] =	ssyncset.done $0x0  }
0x85: {  	[sflag:s20] =	ssyncadd.s32 $0xFFFFD940  }
0x86: {  	[tilespmem:s19], [sflag:$0x1] =	stream.indirect.gather [hbm4b:s1+s22], $0x80, s26, s22, $0xb8;
	[tilespmem:$0x1DAC0] =	vst v63  }
0x87: {  	s31 =	simm.s32 $0x50;
	[bflag:$0x0] =	sbarrier.arrive $0xFFFF  }
0x88: {  	[tilespmem:s23], [sflag:$0x2] =	stream.indirect.gather [hbm4b:s1+s22], $0x80, s31, s22, $0xb8;
	[tilespmem:$0x1DAC0] =	vst v63  }
0x89: {  	_ =	swait.ge [sflag:s24], $0x2800  }
0x8a: {  	[sflag:s24] =	ssyncset.done $0x0  }
0x8b: {  	[sflag:s24] =	ssyncadd.s32 $0xFFFFD800  }
0x8c: {  	[tilespmem:v0+s19+$0x0] =	vst.idx.msk $0xffff, v2  }
0x8d: {  	[tilespmem:v3+s19+$0x0] =	vst.idx.msk $0xffff, v2  }
0x8e: {  	[tilespmem:v4+s19+$0x0] =	vst.idx.msk $0xffff, v2  }
0x8f: {  	[tilespmem:v5+s19+$0x0] =	vst.idx.msk $0xffff, v2  }
0x90: {  	s29 =	simm.s32 $0x2760;
	[tilespmem:v6+s19+$0x0] =	vst.idx.msk $0xffff, v2  }
0x91: {  	[spmem:s3] =	stream.indirect.scatter.add.f32 [tilespmem:s19], [sflag:$0x3], $0x80, s29, s22, $0xb8;
	[tilespmem:$0x1DAC0] =	vst v63  }
0x92: {  	_ =	swait.ge [sflag:s20], $0x2800  }
0x93: {  	[sflag:s20] =	ssyncset.done $0x0  }
0x94: {  	s30 =	simm.s32 $0xA0;
	[sflag:s20] =	ssyncadd.s32 $0xFFFFD800  }
0x95: {  	[tilespmem:s19], [sflag:$0x1] =	stream.indirect.gather [hbm4b:s1+s22], $0x80, s30, s22, $0xb8;
	[tilespmem:$0x1DAC0] =	vst v63  }
0x96: {  	_ =	swait.ge [sflag:s25], $0x2800  }
0x97: {  	[sflag:s25] =	ssyncset.done $0x0  }
0x98: {  	[sflag:s25] =	ssyncadd.s32 $0xFFFFD800  }
0x99: {  	[tilespmem:v0+s23+$0x0] =	vst.idx.msk $0xffff, v2  }
0x9a: {  	[tilespmem:v3+s23+$0x0] =	vst.idx.msk $0xffff, v2  }
0x9b: {  	[tilespmem:v4+s23+$0x0] =	vst.idx.msk $0xffff, v2  }
0x9c: {  	[tilespmem:v5+s23+$0x0] =	vst.idx.msk $0xffff, v2  }
0x9d: {  	s31 =	simm.s32 $0x27B0;
	[tilespmem:v6+s23+$0x0] =	vst.idx.msk $0xffff, v2  }
0x9e: {  	[spmem:s3] =	stream.indirect.scatter.add.f32 [tilespmem:s23], [sflag:$0x3], $0x80, s31, s22, $0xb8;
	[tilespmem:$0x1DAC0] =	vst v63  }
0x9f: {  	_ =	swait.ge [sflag:s20], $0x2800  }
0xa0: {  	s28 =	simm.s32 $0x500;
	s26 =	simm.s32 $0xA0;
	[sflag:s20] =	ssyncset.done $0x0  }
.LBB2_9:
0xa1: {  	s29 =	sadd.s32 $0x50, s26  }
0xa2: {  	[sflag:s20] =	ssyncadd.s32 $0xFFFFD800;
	s30 =	smov.u32 s28;
	s31 =	sadd.s32 $0x280, s28  }
0xa3: {  	[tilespmem:s23], [sflag:$0x2] =	stream.indirect.gather [hbm4b:s1+s22], $0x80, s29, s22, $0xb8;
	[tilespmem:$0x1DAC0] =	vst v63  }
0xa4: {  	p1 =	sne.s32 s28, $0x9600;
	_ =	swait.ge [sflag:s24], $0x2800  }
0xa5: {  	[sflag:s24] =	ssyncset.done $0x0  }
0xa6: {  	[sflag:s24] =	ssyncadd.s32 $0xFFFFD800  }
0xa7: {  	[tilespmem:v0+s19+$0x0] =	vst.idx.msk $0xffff, v2  }
0xa8: {  	[tilespmem:v3+s19+$0x0] =	vst.idx.msk $0xffff, v2  }
0xa9: {  	[tilespmem:v4+s19+$0x0] =	vst.idx.msk $0xffff, v2  }
0xaa: {  	[tilespmem:v5+s19+$0x0] =	vst.idx.msk $0xffff, v2  }
0xab: {  	s28 =	sadd.s32 $0x2760, s26;
	[tilespmem:v6+s19+$0x0] =	vst.idx.msk $0xffff, v2  }
0xac: {  	[spmem:s3] =	stream.indirect.scatter.add.f32 [tilespmem:s19], [sflag:$0x3], $0x80, s28, s22, $0xb8;
	[tilespmem:$0x1DAC0] =	vst v63  }
0xad: {  	_ =	swait.ge [sflag:s20], $0x2800  }
0xae: {  	[sflag:s20] =	ssyncset.done $0x0  }
0xaf: {  	s28 =	sadd.s32 $0xA0, s26;
	[sflag:s20] =	ssyncadd.s32 $0xFFFFD800  }
0xb0: {  	[tilespmem:s19], [sflag:$0x1] =	stream.indirect.gather [hbm4b:s1+s22], $0x80, s28, s22, $0xb8;
	[tilespmem:$0x1DAC0] =	vst v63  }
0xb1: {  	_ =	swait.ge [sflag:s25], $0x2800  }
0xb2: {  	[sflag:s25] =	ssyncset.done $0x0  }
0xb3: {  	[sflag:s25] =	ssyncadd.s32 $0xFFFFD800  }
0xb4: {  	[tilespmem:v0+s23+$0x0] =	vst.idx.msk $0xffff, v2  }
0xb5: {  	[tilespmem:v3+s23+$0x0] =	vst.idx.msk $0xffff, v2  }
0xb6: {  	[tilespmem:v4+s23+$0x0] =	vst.idx.msk $0xffff, v2  }
.Ltmp4:
0xb7: {  	[tilespmem:v5+s23+$0x0] =	vst.idx.msk $0xffff, v2;
	(pc) =	sbr.rel @p1 .LBB2_9-.Ltmp4, $4  }
0xb8: {  	s26 =	sadd.s32 $0x27B0, s26;
	[tilespmem:v6+s23+$0x0] =	vst.idx.msk $0xffff, v2  }
0xb9: {  	[spmem:s3] =	stream.indirect.scatter.add.f32 [tilespmem:s23], [sflag:$0x3], $0x80, s26, s22, $0xb8;
	[tilespmem:$0x1DAC0] =	vst v63  }
0xba: {  	_ =	swait.ge [sflag:s20], $0x2800  }
0xbb: {  	s28 =	smov.u32 s31;
	s26 =	sshra.s32 s30, $0x2;
	[sflag:s20] =	ssyncset.done $0x0  }
0xbc: {  	s28 =	sadd.s32 $0x50, s26;
	[sflag:s20] =	ssyncadd.s32 $0xFFFFD800  }
0xbd: {  	[tilespmem:s23], [sflag:$0x2] =	stream.indirect.gather [hbm4b:s1+s22], $0x80, s28, s22, $0xb8;
	[tilespmem:$0x1DAC0] =	vst v63  }
0xbe: {  	_ =	swait.ge [sflag:s24], $0x2800  }
0xbf: {  	[sflag:s24] =	ssyncset.done $0x0  }
0xc0: {  	[sflag:s24] =	ssyncadd.s32 $0xFFFFD800  }
0xc1: {  	[tilespmem:v0+s19+$0x0] =	vst.idx.msk $0xffff, v2  }
0xc2: {  	[tilespmem:v3+s19+$0x0] =	vst.idx.msk $0xffff, v2  }
0xc3: {  	[tilespmem:v4+s19+$0x0] =	vst.idx.msk $0xffff, v2  }
0xc4: {  	[tilespmem:v5+s19+$0x0] =	vst.idx.msk $0xffff, v2  }
0xc5: {  	s28 =	sadd.s32 $0x2760, s26;
	[tilespmem:v6+s19+$0x0] =	vst.idx.msk $0xffff, v2  }
0xc6: {  	[spmem:s3] =	stream.indirect.scatter.add.f32 [tilespmem:s19], [sflag:$0x3], $0x80, s28, s22, $0xb8;
	[tilespmem:$0x1DAC0] =	vst v63  }
0xc7: {  	_ =	swait.ge [sflag:s20], $0x2800  }
0xc8: {  	[sflag:s20] =	ssyncset.done $0x0  }
0xc9: {  	s28 =	sadd.s32 $0xA0, s26;
	[sflag:s20] =	ssyncadd.s32 $0xFFFFD800  }
0xca: {  	[tilespmem:s19], [sflag:$0x1] =	stream.indirect.gather [hbm4b:s1+s22], $0x80, s28, s22, $0xb8;
	[tilespmem:$0x1DAC0] =	vst v63  }
0xcb: {  	_ =	swait.ge [sflag:s25], $0x2800  }
0xcc: {  	[sflag:s25] =	ssyncset.done $0x0  }
0xcd: {  	[sflag:s25] =	ssyncadd.s32 $0xFFFFD800  }
0xce: {  	[tilespmem:v0+s23+$0x0] =	vst.idx.msk $0xffff, v2  }
0xcf: {  	[tilespmem:v3+s23+$0x0] =	vst.idx.msk $0xffff, v2  }
0xd0: {  	[tilespmem:v4+s23+$0x0] =	vst.idx.msk $0xffff, v2  }
0xd1: {  	[tilespmem:v5+s23+$0x0] =	vst.idx.msk $0xffff, v2  }
.Ltmp5:
0xd2: {  	s31 =	sadd.s32 $0x27B0, s26;
	[tilespmem:v6+s23+$0x0] =	vst.idx.msk $0xffff, v2;
	(pc) =	sbr.rel .LBB2_11-.Ltmp5, $4  }
0xd3: {  	[spmem:s3] =	stream.indirect.scatter.add.f32 [tilespmem:s23], [sflag:$0x3], $0x80, s31, s22, $0xb8;
	[tilespmem:$0x1DAC0] =	vst v63  }
0xd4: {  	_ =	swait.ge [sflag:s20], $0x2800  }
0xd5: {  	s29 =	simm.s32 $0x2670;
	[sflag:s20] =	ssyncset.done $0x0  }
0xd6: {  	s26 =	simm.s32 $0x4DD0;
	s28 =	simm.s32 $0x4D80;
	[sflag:s20] =	ssyncadd.s32 $0xFFFFD800  }
.LBB2_4:
0xd7: {  	[tilespmem:s26], [sflag:$0x3] =	stream.linear.gather [hbm4b:s13+s26], $0x2760, $0x38;
	[tilespmem:$0x1DAC0] =	vst v63  }
0xd8: {  	_ =	swait.ge [sflag:s20], $0x2760  }
0xd9: {  	[sflag:s20] =	ssyncset.done $0x0  }
0xda: {  	[sflag:s20] =	ssyncadd.s32 $0xFFFFD8A0  }
0xdb: {  	[tilespmem:s21], [sflag:$0x3] =	stream.linear.gather [hbm4b:s14+s26], $0x2760, $0x38;
	[tilespmem:$0x1DAC0] =	vst v63  }
0xdc: {  	p2 =	por $0x0, $0x0;
	_ =	swait.ge [sflag:s20], $0x2760  }
.Ltmp6:
0xdd: {  	[sflag:s20] =	ssyncset.done $0x0;
	(pc) =	sbr.rel @p2 .LBB2_7-.Ltmp6, $4  }
0xde: {  	[sflag:s20] =	ssyncadd.s32 $0xFFFFD8A0  }
0xdf: {  	[tilespmem:s19], [sflag:$0x1] =	stream.indirect.gather [hbm4b:s1+s22], $0x80, s26, s22, $0xb8;
	[tilespmem:$0x1DAC0] =	vst v63  }
0xe0: {  	[bflag:$0x0] =	sbarrier.arrive $0xFFFF  }
0xe1: {  	p1 =	por $0x0, $0x0;
	s26 =	simm.s32 $0x0  }
0xe2: {  	s26 =	simm.s32 $0x50  }
0xe3: {  	[tilespmem:s23], [sflag:$0x2] =	stream.indirect.gather [hbm4b:s1+s22], $0x80, s26, s22, $0xb8;
	[tilespmem:$0x1DAC0] =	vst v63  }
0xe4: {  	_ =	swait.ge [sflag:s24], $0x2800  }
0xe5: {  	[sflag:s24] =	ssyncset.done $0x0  }
0xe6: {  	[sflag:s24] =	ssyncadd.s32 $0xFFFFD800  }
0xe7: {  	[tilespmem:v0+s19+$0x0] =	vst.idx.msk $0xffff, v2  }
0xe8: {  	[tilespmem:v3+s19+$0x0] =	vst.idx.msk $0xffff, v2  }
0xe9: {  	[tilespmem:v4+s19+$0x0] =	vst.idx.msk $0xffff, v2  }
0xea: {  	[tilespmem:v5+s19+$0x0] =	vst.idx.msk $0xffff, v2  }
0xeb: {  	s29 =	simm.s32 $0x2760;
	[tilespmem:v6+s19+$0x0] =	vst.idx.msk $0xffff, v2  }
0xec: {  	[spmem:s3] =	stream.indirect.scatter.add.f32 [tilespmem:s19], [sflag:$0x3], $0x80, s29, s22, $0xb8;
	[tilespmem:$0x1DAC0] =	vst v63  }
0xed: {  	_ =	swait.ge [sflag:s20], $0x2800  }
0xee: {  	[sflag:s20] =	ssyncset.done $0x0  }
0xef: {  	s30 =	simm.s32 $0xA0;
	[sflag:s20] =	ssyncadd.s32 $0xFFFFD800  }
0xf0: {  	[tilespmem:s19], [sflag:$0x1] =	stream.indirect.gather [hbm4b:s1+s22], $0x80, s30, s22, $0xb8;
	[tilespmem:$0x1DAC0] =	vst v63  }
0xf1: {  	_ =	swait.ge [sflag:s25], $0x2800  }
0xf2: {  	[sflag:s25] =	ssyncset.done $0x0  }
0xf3: {  	[sflag:s25] =	ssyncadd.s32 $0xFFFFD800  }
0xf4: {  	[tilespmem:v0+s23+$0x0] =	vst.idx.msk $0xffff, v2  }
0xf5: {  	[tilespmem:v3+s23+$0x0] =	vst.idx.msk $0xffff, v2  }
0xf6: {  	p2 =	por $0x0, $0x0;
	[tilespmem:v4+s23+$0x0] =	vst.idx.msk $0xffff, v2  }
.Ltmp7:
0xf7: {  	[tilespmem:v5+s23+$0x0] =	vst.idx.msk $0xffff, v2;
	(pc) =	sbr.rel @p2 .LBB2_7-.Ltmp7, $4  }
0xf8: {  	s31 =	simm.s32 $0x27B0;
	[tilespmem:v6+s23+$0x0] =	vst.idx.msk $0xffff, v2  }
0xf9: {  	[spmem:s3] =	stream.indirect.scatter.add.f32 [tilespmem:s23], [sflag:$0x3], $0x80, s31, s22, $0xb8;
	[tilespmem:$0x1DAC0] =	vst v63  }
0xfa: {  	s28 =	simm.s32 $0x500;
	_ =	swait.ge [sflag:s20], $0x2800  }
0xfb: {  	p1 =	por $0x1, $0x1;
	s26 =	simm.s32 $0xA0;
	[sflag:s20] =	ssyncset.done $0x0  }
.LBB2_6:
0xfc: {  	s29 =	sadd.s32 $0x50, s26  }
0xfd: {  	[sflag:s20] =	ssyncadd.s32 $0xFFFFD800;
	s30 =	smov.u32 s28;
	s31 =	sadd.s32 $0x280, s28  }
0xfe: {  	[tilespmem:s23], [sflag:$0x2] =	stream.indirect.gather [hbm4b:s1+s22], $0x80, s29, s22, $0xb8;
	[tilespmem:$0x1DAC0] =	vst v63  }
0xff: {  	p2 =	seq.s32 s28, $0x9880;
	_ =	swait.ge [sflag:s24], $0x2800  }
0x100: {  	[sflag:s24] =	ssyncset.done $0x0  }
0x101: {  	[sflag:s24] =	ssyncadd.s32 $0xFFFFD800  }
0x102: {  	[tilespmem:v0+s19+$0x0] =	vst.idx.msk $0xffff, v2  }
0x103: {  	[tilespmem:v3+s19+$0x0] =	vst.idx.msk $0xffff, v2  }
0x104: {  	[tilespmem:v4+s19+$0x0] =	vst.idx.msk $0xffff, v2  }
0x105: {  	[tilespmem:v5+s19+$0x0] =	vst.idx.msk $0xffff, v2  }
0x106: {  	s28 =	sadd.s32 $0x2760, s26;
	[tilespmem:v6+s19+$0x0] =	vst.idx.msk $0xffff, v2  }
0x107: {  	[spmem:s3] =	stream.indirect.scatter.add.f32 [tilespmem:s19], [sflag:$0x3], $0x80, s28, s22, $0xb8;
	[tilespmem:$0x1DAC0] =	vst v63  }
0x108: {  	_ =	swait.ge [sflag:s20], $0x2800  }
0x109: {  	[sflag:s20] =	ssyncset.done $0x0  }
0x10a: {  	s28 =	sadd.s32 $0xA0, s26;
	[sflag:s20] =	ssyncadd.s32 $0xFFFFD800  }
0x10b: {  	[tilespmem:s19], [sflag:$0x1] =	stream.indirect.gather [hbm4b:s1+s22], $0x80, s28, s22, $0xb8;
	[tilespmem:$0x1DAC0] =	vst v63  }
0x10c: {  	_ =	swait.ge [sflag:s25], $0x2800  }
0x10d: {  	[sflag:s25] =	ssyncset.done $0x0  }
0x10e: {  	[sflag:s25] =	ssyncadd.s32 $0xFFFFD800  }
0x10f: {  	[tilespmem:v0+s23+$0x0] =	vst.idx.msk $0xffff, v2  }
0x110: {  	[tilespmem:v3+s23+$0x0] =	vst.idx.msk $0xffff, v2  }
0x111: {  	[tilespmem:v4+s23+$0x0] =	vst.idx.msk $0xffff, v2  }
.Ltmp8:
0x112: {  	[tilespmem:v5+s23+$0x0] =	vst.idx.msk $0xffff, v2;
	(pc) =	sbr.rel @!p2 .LBB2_6-.Ltmp8, $4  }
0x113: {  	s26 =	sadd.s32 $0x27B0, s26;
	[tilespmem:v6+s23+$0x0] =	vst.idx.msk $0xffff, v2  }
0x114: {  	[spmem:s3] =	stream.indirect.scatter.add.f32 [tilespmem:s23], [sflag:$0x3], $0x80, s26, s22, $0xb8;
	[tilespmem:$0x1DAC0] =	vst v63  }
0x115: {  	_ =	swait.ge [sflag:s20], $0x2800  }
0x116: {  	s28 =	smov.u32 s31;
	s26 =	sshra.s32 s30, $0x2;
	[sflag:s20] =	ssyncset.done $0x0  }
.Ltmp9:
0x117: {  	_ = 	snop;
	(pc) =	sbr.rel .LBB2_7-.Ltmp9, $1  }
0x118: {  	_ =	sdelay $0x3  }
.LBB2_12:
0x119: {  	_ =	sfence.sel $0x180000  }
0x11a: {  	[bflag:$0x0] =	sbarrier.arrive $0xFFFF  }
0x11b: {  	p0 =	sne.s32 s0, $0x0;
	_ =	strace $0x90000047  }
0x11c: {  	s0 =	sadd.s32 @!p0 $0x100000, s2;
	[bflag:$0x2] =	sbarrier.arrive $0xFFFF  }
0x11d: {  	[sflag:s0] =	ssyncadd.tile.s32 @!p0 $0x1;
	_ =	shalt  }
.Lfunc_end2:
_tile_overlayer_lowered:
.L_overlay_start_2:
0x11e: {  	(tag) =	ssettag $0x2  }
0x11f: {  	s0 =	rddreg [dreg:$0x0];
	s2 =	stileid.u32  }
0x120: {  	s1 =	rddreg [dreg:$0x1];
	p0 =	sne.s32 s2, $0x0  }
0x121: {  	s3 =	rddreg [dreg:$0x2];
	[bflag:$0x3] =	sbarrier.arrive $0xFFFF;
	s2 =	simm.s32 @!p0 $0x1C03  }
0x122: {  	[timem:s3], [sflag:s2] =	dma.local @!p0 [hbm:s0], s1  }
0x123: {  	s0 =	simm.s32 @!p0 $0x3  }
0x124: {  	_ =	swait.ge @!p0 [sflag:s0], s1  }
0x125: {  	s1 =	ssub.s32 @!p0 $0x0, s1;
	[sflag:s0] =	ssyncset.done @!p0 $0x0  }
0x126: {  	[sflag:s0] =	ssyncadd.s32 @!p0 s1  }
0x127: {  	[bflag:$0x3] =	sbarrier.arrive $0xFFFF  }
0x128: {  	_ =	shalt  }

</sc_bundles>
